<compile_context>
chip_gen: v7x
topology: tpu7x:2x2x1
jax: 0.10.2.dev20260603
libtpu: 0.0.44.dev20260713+nightly
codegen_flags: <defaults>
</compile_context>

<pallas_src>
import functools

import jax
import jax.numpy as jnp
from jax import lax
from jax.experimental import pallas as pl
from jax.experimental.pallas import tpu as pltpu
from jax.experimental.pallas import tpu_sc as plsc

_B = 1024
_L = 512
_M = 64
_LANES = 16

_NQ = 80
_NT = 64
_T = _NQ + _NT
_QROWS = 16 * _NQ
_ROWS = _QROWS + 8 * _NT

_info = plsc.get_sparse_core_info()
_NC = _info.num_cores
_NS = _info.num_subcores
_NW = _NC * _NS
_SPT = _B // _NW

_HI = jax.lax.Precision.HIGHEST


def _prep_body(x_ref, eps_ref, tab_ref, idx_ref):
    e0 = eps_ref[0]
    e1 = eps_ref[1]

    def selT(sel, e):
        return lax.dot_general(sel, e, (((0,), (1,)), ((), ())),
                               preferred_element_type=jnp.float32,
                               precision=_HI)

    li = lax.broadcasted_iota(jnp.int32, (_L, _NQ), 0)
    qi = lax.broadcasted_iota(jnp.int32, (_L, _NQ), 1)
    s = [(li == 4 * qi + j).astype(jnp.float32) for j in range(4)]
    eq = [[selT(s[j], e0), selT(s[j], e1)] for j in range(4)]
    for c in range(16):
        tc = (eq[0][(c >> 3) & 1] * eq[1][(c >> 2) & 1]
              * eq[2][(c >> 1) & 1] * eq[3][c & 1])
        tab_ref[pl.ds(c * _NQ, _NQ), :] = tc

    li3 = lax.broadcasted_iota(jnp.int32, (_L, _NT), 0)
    ti3 = lax.broadcasted_iota(jnp.int32, (_L, _NT), 1)
    s3 = [(li3 == 4 * _NQ + 3 * ti3 + j).astype(jnp.float32)
          for j in range(3)]
    et = [[selT(s3[j], e0), selT(s3[j], e1)] for j in range(3)]
    for c in range(8):
        tc = (et[0][(c >> 2) & 1] * et[1][(c >> 1) & 1] * et[2][c & 1])
        tab_ref[pl.ds(_QROWS + c * _NT, _NT), :] = tc

    wq = (s[0] * 8.0 + s[1] * 4.0 + s[2] * 2.0 + s[3]) * (_NQ * _M)
    wt = (s3[0] * 4.0 + s3[1] * 2.0 + s3[2]) * (_NT * _M)
    w = jnp.concatenate([wq, wt], axis=1)
    xf = x_ref[...].astype(jnp.float32)
    combo = lax.dot_general(xf, w, (((1,), (0,)), ((), ())),
                            preferred_element_type=jnp.float32,
                            precision=_HI)
    tcol = lax.broadcasted_iota(jnp.int32, (_B, _T), 1)
    off = tcol * _M + jnp.where(tcol >= _NQ, (_QROWS - _NQ) * _M, 0)
    idx_ref[...] = combo.astype(jnp.int32) + off


def _sc_body(idx_hbm, table_hbm, out_hbm, idx_v, tab_v, out_v, tab_sh):
    sid = lax.axis_index("s")
    wid = sid * _NC + lax.axis_index("c")
    base = wid * _SPT

    @pl.when(sid == 0)
    def _stage_shared():
        pltpu.sync_copy(table_hbm, tab_sh)

    pltpu.sync_copy(idx_hbm.at[pl.ds(base * _T, _SPT * _T)], idx_v)
    plsc.subcore_barrier()
    pltpu.sync_copy(tab_sh, tab_v)

    lane = lax.iota(jnp.int32, 16)
    ones = jnp.ones((_LANES,), jnp.float32)

    for g in range(_SPT // _LANES):

        def sample_body(j, outvec, g=g):
            i = g * _LANES + j

            def group_body(q, accs):
                a0, a1, a2, a3 = accs
                rbv = idx_v[pl.ds(i * _T + q * _LANES, _LANES)]
                for k in range(_LANES):
                    rb = rbv[k]
                    a0 = a0 * tab_v[pl.ds(rb, 16)]
                    a1 = a1 * tab_v[pl.ds(rb + 16, 16)]
                    a2 = a2 * tab_v[pl.ds(rb + 32, 16)]
                    a3 = a3 * tab_v[pl.ds(rb + 48, 16)]
                return (a0, a1, a2, a3)

            a0, a1, a2, a3 = lax.fori_loop(
                0, _T // _LANES, group_body, (ones, ones, ones, ones))
            tot = jnp.sum((a0 + a1) + (a2 + a3), axis=0)
            return jnp.where(lane == j, tot, outvec)

        outvec = lax.fori_loop(0, _LANES, sample_body,
                               jnp.zeros((_LANES,), jnp.float32))
        out_v[pl.ds(g * _LANES, _LANES)] = outvec

    pltpu.sync_copy(out_v, out_hbm.at[pl.ds(base, _SPT)])


@jax.jit
def _qgps(x, epsilon):
    tab, idx = pl.pallas_call(
        _prep_body,
        out_shape=(
            jax.ShapeDtypeStruct((_ROWS, _M), jnp.float32),
            jax.ShapeDtypeStruct((_B, _T), jnp.int32),
        ),
    )(x, epsilon)

    run = pl.kernel(
        _sc_body,
        out_type=jax.ShapeDtypeStruct((_B,), jnp.float32),
        mesh=plsc.VectorSubcoreMesh(core_axis_name="c", subcore_axis_name="s"),
        scratch_types=[
            pltpu.VMEM((_SPT * _T,), jnp.int32),
            pltpu.VMEM((_ROWS * _M,), jnp.float32),
            pltpu.VMEM((_SPT,), jnp.float32),
            pltpu.VMEM_SHARED((_ROWS * _M,), jnp.float32),
        ],
        compiler_params=pltpu.CompilerParams(needs_layout_passes=False),
    )
    return run(idx.reshape(-1), tab.reshape(-1))


def kernel(inputs, epsilon):
    return _qgps(inputs.astype(jnp.int32), epsilon)

# --- scband reference (transcript-rebuilt; emitter-appended) ---
"""Pipeline reference for scband-q-gps-32375463477532 (READ-ONLY COPY).

The authoritative reference and input builder live on the scoring server;
editing this copy changes nothing except your own understanding.
"""

import jax, jax.numpy as jnp
import numpy as np

B = 1024
L = 512
LOCAL_DIM = 2
M = 64


def setup_inputs(seed: int = 0) -> dict:
    key = jax.random.key(seed)
    k1, k2 = jax.random.split(key)
    inputs = jax.random.randint(k1, (B, L), 0, LOCAL_DIM, dtype=jnp.int64)
    # epsilon initialized near 1 so the product over L sites stays well-conditioned
    epsilon = 1.0 + 0.05 * jax.random.normal(k2, (LOCAL_DIM, M, L), dtype=jnp.float32)
    return {"inputs": inputs, "epsilon": epsilon}


def reference(inputs, epsilon):
    # to_indices: cast samples to integer occupancy indices
    indices = inputs.astype(jnp.int32)

    # no_syms(): single identity symmetry appended as trailing axis
    symmetries = lambda s: jnp.expand_dims(s, axis=-1)

    def evaluate_site_product(sample):
        # sample: (1, 1, L); epsilon: (local_dim, M, L)
        # gather along occupancy axis -> (1, M, L), product over sites -> (M,)
        return jnp.take_along_axis(epsilon, sample, axis=0).prod(axis=-1).reshape(-1)

    def get_site_prod(sample):
        # vmap over symmetry axis (size 1) -> (M, n_syms)
        return jax.vmap(evaluate_site_product, in_axes=-1, out_axes=-1)(symmetries(sample))

    transformed_samples = jnp.expand_dims(indices, (1, 2))  # (B, 1, 1, L)
    site_product = jax.vmap(get_site_prod)(transformed_samples)  # (B, M, n_syms)

    # out_transformation: sum over support and symmetry axes -> (B,)
    return jnp.sum(site_product, axis=(-2, -1))

if __name__ == "__main__":
    import jax
    _d = setup_inputs()
    print(jax.jit(kernel)(*tuple(_d.values())))

</pallas_src>

<mosaic_0001>
#map = affine_map<(d0, d1) -> (0)>
module attributes {stable_mosaic.version = 14 : i64} {
  func.func @_sc_body(%arg0: i32, %arg1: i32, %arg2: memref<147456xi32, #tpu.memory_space<hbm>>, %arg3: memref<114688xf32, #tpu.memory_space<hbm>>, %arg4: memref<1024xf32, #tpu.memory_space<hbm>>, %arg5: memref<4608xi32, #tpu.memory_space<vmem>>, %arg6: memref<114688xf32, #tpu.memory_space<vmem>>, %arg7: memref<32xf32, #tpu.memory_space<vmem>>, %arg8: memref<114688xf32, #tpu.memory_space<vmem_shared>>) attributes {dimension_semantics = [#tpu.dimension_semantics<core_parallel>, #tpu.dimension_semantics<subcore_parallel>], iteration_bounds = array<i64: 2, 16>, scalar_prefetch = 0 : i64, scratch_operands = 4 : i64, tpu.core_type = #tpu.core_type<sc_vector_subcore>, window_params = [{transform_indices = #map}, {transform_indices = #map}, {transform_indices = #map}]} {
    %mul3A = arith.constant 2 : i32
    %mul3A_0 = arith.muli %arg1, %mul3A : i32
    %add3A = arith.addi %mul3A_0, %arg0 : i32
    %mul3A_1 = arith.constant 32 : i32
    %mul3A_2 = arith.muli %add3A, %mul3A_1 : i32
    %eq3A = arith.constant 0 : i32
    %eq3A_3 = arith.cmpi eq, %arg1, %eq3A : i32
    %convert_element_type3A = arith.extui %eq3A_3 : i1 to i32
    %cond3A = arith.constant 0 : i32
    %cond3A_4 = arith.cmpi ne, %convert_element_type3A, %cond3A : i32
    scf.if %cond3A_4 {
      "tpu.region"() ({
        %run_scoped3A = tpu.sem_alloc : memref<!tpu.dma_semaphore, #tpu.memory_space<semaphore_mem>>
        tpu.enqueue_dma source(%arg3 : memref<114688xf32, #tpu.memory_space<hbm>>) target(%arg8 : memref<114688xf32, #tpu.memory_space<vmem_shared>>) target_semaphore(%run_scoped3A : memref<!tpu.dma_semaphore, #tpu.memory_space<semaphore_mem>>)
        tpu.wait_dma2 semaphore(%run_scoped3A : memref<!tpu.dma_semaphore, #tpu.memory_space<semaphore_mem>>) src(%arg3 : memref<114688xf32, #tpu.memory_space<hbm>>) dst(%arg8 : memref<114688xf32, #tpu.memory_space<vmem_shared>>)
        tpu.yield
      }) : () -> ()
    } else {
    }
    %mul3A_5 = arith.constant 144 : i32
    %mul3A_6 = arith.muli %mul3A_2, %mul3A_5 : i32
    "tpu.region"() ({
      %run_scoped3A = tpu.sem_alloc : memref<!tpu.dma_semaphore, #tpu.memory_space<semaphore_mem>>
      %dma_start3A = tpu.memref_slice %arg2[%mul3A_6] : memref<147456xi32, #tpu.memory_space<hbm>> -> memref<4608xi32, #tpu.memory_space<hbm>>
      %dma_start3A_26 = tpu.memref_slice %arg2[%mul3A_6] : memref<147456xi32, #tpu.memory_space<hbm>> -> memref<4608xi32, #tpu.memory_space<hbm>>
      tpu.enqueue_dma source(%dma_start3A_26 : memref<4608xi32, #tpu.memory_space<hbm>>) target(%arg5 : memref<4608xi32, #tpu.memory_space<vmem>>) target_semaphore(%run_scoped3A : memref<!tpu.dma_semaphore, #tpu.memory_space<semaphore_mem>>)
      %dma_wait3A = tpu.memref_slice %arg2[%mul3A_6] : memref<147456xi32, #tpu.memory_space<hbm>> -> memref<4608xi32, #tpu.memory_space<hbm>>
      %dma_wait3A_27 = tpu.memref_slice %arg2[%mul3A_6] : memref<147456xi32, #tpu.memory_space<hbm>> -> memref<4608xi32, #tpu.memory_space<hbm>>
      tpu.wait_dma2 semaphore(%run_scoped3A : memref<!tpu.dma_semaphore, #tpu.memory_space<semaphore_mem>>) src(%dma_wait3A_27 : memref<4608xi32, #tpu.memory_space<hbm>>) dst(%arg5 : memref<4608xi32, #tpu.memory_space<vmem>>)
      tpu.yield
    }) : () -> ()
    %barrier3A = arith.constant 0 : index
    tpu.barrier barrier_id(%barrier3A)
    "tpu.region"() ({
      %run_scoped3A = tpu.sem_alloc : memref<!tpu.dma_semaphore, #tpu.memory_space<semaphore_mem>>
      tpu.enqueue_dma source(%arg8 : memref<114688xf32, #tpu.memory_space<vmem_shared>>) target(%arg6 : memref<114688xf32, #tpu.memory_space<vmem>>) target_semaphore(%run_scoped3A : memref<!tpu.dma_semaphore, #tpu.memory_space<semaphore_mem>>)
      tpu.wait_dma2 semaphore(%run_scoped3A : memref<!tpu.dma_semaphore, #tpu.memory_space<semaphore_mem>>) src(%arg8 : memref<114688xf32, #tpu.memory_space<vmem_shared>>) dst(%arg6 : memref<114688xf32, #tpu.memory_space<vmem>>)
      tpu.yield
    }) : () -> ()
    %iota3A = tpu.iota {dimensions = array<i32: 0>} : vector<16xi32>
    %broadcast_in_dim3A = arith.constant 1.000000e+00 : f32
    %broadcast_in_dim3A_7 = vector.broadcast %broadcast_in_dim3A : f32 to vector<16xf32>
    %broadcast_in_dim3A_8 = arith.constant 0.000000e+00 : f32
    %broadcast_in_dim3A_9 = vector.broadcast %broadcast_in_dim3A_8 : f32 to vector<16xf32>
    %scan3A = arith.constant 0 : i32
    %scan3A_10 = arith.constant 16 : i32
    %scan3A_11 = arith.addi %scan3A, %scan3A_10 : i32
    %scan3A_12 = arith.constant 1 : i32
    %scan3A_13 = scf.for %scan3A_26 = %scan3A to %scan3A_11 step %scan3A_12 iter_args(%scan3A_27 = %broadcast_in_dim3A_9) -> (vector<16xf32>)  : i32 {
      %add3A_28 = arith.constant 0 : i32
      %add3A_29 = arith.addi %add3A_28, %scan3A_26 : i32
      %scan3A_30 = arith.constant 0 : i32
      %scan3A_31 = arith.constant 9 : i32
      %scan3A_32 = arith.addi %scan3A_30, %scan3A_31 : i32
      %scan3A_33 = arith.constant 1 : i32
      %scan3A_34:4 = scf.for %scan3A_45 = %scan3A_30 to %scan3A_32 step %scan3A_33 iter_args(%scan3A_46 = %broadcast_in_dim3A_7, %scan3A_47 = %broadcast_in_dim3A_7, %scan3A_48 = %broadcast_in_dim3A_7, %scan3A_49 = %broadcast_in_dim3A_7) -> (vector<16xf32>, vector<16xf32>, vector<16xf32>, vector<16xf32>)  : i32 {
        %mul3A_50 = arith.constant 144 : i32
        %mul3A_51 = arith.muli %add3A_29, %mul3A_50 : i32
        %mul3A_52 = arith.constant 16 : i32
        %mul3A_53 = arith.muli %scan3A_45, %mul3A_52 : i32
        %add3A_54 = arith.addi %mul3A_51, %mul3A_53 : i32
        %get3A = arith.index_cast %add3A_54 : i32 to index
        %get3A_55 = tpu.vector_load %arg5[%get3A] {strides = array<i32>} : memref<4608xi32, #tpu.memory_space<vmem>>, vector<16xi32>,
        %slice3A = vector.extract_strided_slice %get3A_55 {offsets = [0], sizes = [1], strides = [1]} : vector<16xi32> to vector<1xi32>
        %squeeze3A = vector.extract %slice3A[0] : i32 from vector<1xi32>
        %get3A_56 = arith.index_cast %squeeze3A : i32 to index
        %get3A_57 = tpu.vector_load %arg6[%get3A_56] {strides = array<i32>} : memref<114688xf32, #tpu.memory_space<vmem>>, vector<16xf32>,
        %mul3A_58 = arith.mulf %scan3A_46, %get3A_57 : vector<16xf32>
        %add3A_59 = arith.constant 16 : i32
        %add3A_60 = arith.addi %squeeze3A, %add3A_59 : i32
        %get3A_61 = arith.index_cast %add3A_60 : i32 to index
        %get3A_62 = tpu.vector_load %arg6[%get3A_61] {strides = array<i32>} : memref<114688xf32, #tpu.memory_space<vmem>>, vector<16xf32>,
        %mul3A_63 = arith.mulf %scan3A_47, %get3A_62 : vector<16xf32>
        %add3A_64 = arith.constant 32 : i32
        %add3A_65 = arith.addi %squeeze3A, %add3A_64 : i32
        %get3A_66 = arith.index_cast %add3A_65 : i32 to index
        %get3A_67 = tpu.vector_load %arg6[%get3A_66] {strides = array<i32>} : memref<114688xf32, #tpu.memory_space<vmem>>, vector<16xf32>,
        %mul3A_68 = arith.mulf %scan3A_48, %get3A_67 : vector<16xf32>
        %add3A_69 = arith.constant 48 : i32
        %add3A_70 = arith.addi %squeeze3A, %add3A_69 : i32
        %get3A_71 = arith.index_cast %add3A_70 : i32 to index
        %get3A_72 = tpu.vector_load %arg6[%get3A_71] {strides = array<i32>} : memref<114688xf32, #tpu.memory_space<vmem>>, vector<16xf32>,
        %mul3A_73 = arith.mulf %scan3A_49, %get3A_72 : vector<16xf32>
        %slice3A_74 = vector.extract_strided_slice %get3A_55 {offsets = [1], sizes = [1], strides = [1]} : vector<16xi32> to vector<1xi32>
        %squeeze3A_75 = vector.extract %slice3A_74[0] : i32 from vector<1xi32>
        %get3A_76 = arith.index_cast %squeeze3A_75 : i32 to index
        %get3A_77 = tpu.vector_load %arg6[%get3A_76] {strides = array<i32>} : memref<114688xf32, #tpu.memory_space<vmem>>, vector<16xf32>,
        %mul3A_78 = arith.mulf %mul3A_58, %get3A_77 : vector<16xf32>
        %add3A_79 = arith.constant 16 : i32
        %add3A_80 = arith.addi %squeeze3A_75, %add3A_79 : i32
        %get3A_81 = arith.index_cast %add3A_80 : i32 to index
        %get3A_82 = tpu.vector_load %arg6[%get3A_81] {strides = array<i32>} : memref<114688xf32, #tpu.memory_space<vmem>>, vector<16xf32>,
        %mul3A_83 = arith.mulf %mul3A_63, %get3A_82 : vector<16xf32>
        %add3A_84 = arith.constant 32 : i32
        %add3A_85 = arith.addi %squeeze3A_75, %add3A_84 : i32
        %get3A_86 = arith.index_cast %add3A_85 : i32 to index
        %get3A_87 = tpu.vector_load %arg6[%get3A_86] {strides = array<i32>} : memref<114688xf32, #tpu.memory_space<vmem>>, vector<16xf32>,
        %mul3A_88 = arith.mulf %mul3A_68, %get3A_87 : vector<16xf32>
        %add3A_89 = arith.constant 48 : i32
        %add3A_90 = arith.addi %squeeze3A_75, %add3A_89 : i32
        %get3A_91 = arith.index_cast %add3A_90 : i32 to index
        %get3A_92 = tpu.vector_load %arg6[%get3A_91] {strides = array<i32>} : memref<114688xf32, #tpu.memory_space<vmem>>, vector<16xf32>,
        %mul3A_93 = arith.mulf %mul3A_73, %get3A_92 : vector<16xf32>
        %slice3A_94 = vector.extract_strided_slice %get3A_55 {offsets = [2], sizes = [1], strides = [1]} : vector<16xi32> to vector<1xi32>
        %squeeze3A_95 = vector.extract %slice3A_94[0] : i32 from vector<1xi32>
        %get3A_96 = arith.index_cast %squeeze3A_95 : i32 to index
        %get3A_97 = tpu.vector_load %arg6[%get3A_96] {strides = array<i32>} : memref<114688xf32, #tpu.memory_space<vmem>>, vector<16xf32>,
        %mul3A_98 = arith.mulf %mul3A_78, %get3A_97 : vector<16xf32>
        %add3A_99 = arith.constant 16 : i32
        %add3A_100 = arith.addi %squeeze3A_95, %add3A_99 : i32
        %get3A_101 = arith.index_cast %add3A_100 : i32 to index
        %get3A_102 = tpu.vector_load %arg6[%get3A_101] {strides = array<i32>} : memref<114688xf32, #tpu.memory_space<vmem>>, vector<16xf32>,
        %mul3A_103 = arith.mulf %mul3A_83, %get3A_102 : vector<16xf32>
        %add3A_104 = arith.constant 32 : i32
        %add3A_105 = arith.addi %squeeze3A_95, %add3A_104 : i32
        %get3A_106 = arith.index_cast %add3A_105 : i32 to index
        %get3A_107 = tpu.vector_load %arg6[%get3A_106] {strides = array<i32>} : memref<114688xf32, #tpu.memory_space<vmem>>, vector<16xf32>,
        %mul3A_108 = arith.mulf %mul3A_88, %get3A_107 : vector<16xf32>
        %add3A_109 = arith.constant 48 : i32
        %add3A_110 = arith.addi %squeeze3A_95, %add3A_109 : i32
        %get3A_111 = arith.index_cast %add3A_110 : i32 to index
        %get3A_112 = tpu.vector_load %arg6[%get3A_111] {strides = array<i32>} : memref<114688xf32, #tpu.memory_space<vmem>>, vector<16xf32>,
        %mul3A_113 = arith.mulf %mul3A_93, %get3A_112 : vector<16xf32>
        %slice3A_114 = vector.extract_strided_slice %get3A_55 {offsets = [3], sizes = [1], strides = [1]} : vector<16xi32> to vector<1xi32>
        %squeeze3A_115 = vector.extract %slice3A_114[0] : i32 from vector<1xi32>
        %get3A_116 = arith.index_cast %squeeze3A_115 : i32 to index
        %get3A_117 = tpu.vector_load %arg6[%get3A_116] {strides = array<i32>} : memref<114688xf32, #tpu.memory_space<vmem>>, vector<16xf32>,
        %mul3A_118 = arith.mulf %mul3A_98, %get3A_117 : vector<16xf32>
        %add3A_119 = arith.constant 16 : i32
        %add3A_120 = arith.addi %squeeze3A_115, %add3A_119 : i32
        %get3A_121 = arith.index_cast %add3A_120 : i32 to index
        %get3A_122 = tpu.vector_load %arg6[%get3A_121] {strides = array<i32>} : memref<114688xf32, #tpu.memory_space<vmem>>, vector<16xf32>,
        %mul3A_123 = arith.mulf %mul3A_103, %get3A_122 : vector<16xf32>
        %add3A_124 = arith.constant 32 : i32
        %add3A_125 = arith.addi %squeeze3A_115, %add3A_124 : i32
        %get3A_126 = arith.index_cast %add3A_125 : i32 to index
        %get3A_127 = tpu.vector_load %arg6[%get3A_126] {strides = array<i32>} : memref<114688xf32, #tpu.memory_space<vmem>>, vector<16xf32>,
        %mul3A_128 = arith.mulf %mul3A_108, %get3A_127 : vector<16xf32>
        %add3A_129 = arith.constant 48 : i32
        %add3A_130 = arith.addi %squeeze3A_115, %add3A_129 : i32
        %get3A_131 = arith.index_cast %add3A_130 : i32 to index
        %get3A_132 = tpu.vector_load %arg6[%get3A_131] {strides = array<i32>} : memref<114688xf32, #tpu.memory_space<vmem>>, vector<16xf32>,
        %mul3A_133 = arith.mulf %mul3A_113, %get3A_132 : vector<16xf32>
        %slice3A_134 = vector.extract_strided_slice %get3A_55 {offsets = [4], sizes = [1], strides = [1]} : vector<16xi32> to vector<1xi32>
        %squeeze3A_135 = vector.extract %slice3A_134[0] : i32 from vector<1xi32>
        %get3A_136 = arith.index_cast %squeeze3A_135 : i32 to index
        %get3A_137 = tpu.vector_load %arg6[%get3A_136] {strides = array<i32>} : memref<114688xf32, #tpu.memory_space<vmem>>, vector<16xf32>,
        %mul3A_138 = arith.mulf %mul3A_118, %get3A_137 : vector<16xf32>
        %add3A_139 = arith.constant 16 : i32
        %add3A_140 = arith.addi %squeeze3A_135, %add3A_139 : i32
        %get3A_141 = arith.index_cast %add3A_140 : i32 to index
        %get3A_142 = tpu.vector_load %arg6[%get3A_141] {strides = array<i32>} : memref<114688xf32, #tpu.memory_space<vmem>>, vector<16xf32>,
        %mul3A_143 = arith.mulf %mul3A_123, %get3A_142 : vector<16xf32>
        %add3A_144 = arith.constant 32 : i32
        %add3A_145 = arith.addi %squeeze3A_135, %add3A_144 : i32
        %get3A_146 = arith.index_cast %add3A_145 : i32 to index
        %get3A_147 = tpu.vector_load %arg6[%get3A_146] {strides = array<i32>} : memref<114688xf32, #tpu.memory_space<vmem>>, vector<16xf32>,
        %mul3A_148 = arith.mulf %mul3A_128, %get3A_147 : vector<16xf32>
        %add3A_149 = arith.constant 48 : i32
        %add3A_150 = arith.addi %squeeze3A_135, %add3A_149 : i32
        %get3A_151 = arith.index_cast %add3A_150 : i32 to index
        %get3A_152 = tpu.vector_load %arg6[%get3A_151] {strides = array<i32>} : memref<114688xf32, #tpu.memory_space<vmem>>, vector<16xf32>,
        %mul3A_153 = arith.mulf %mul3A_133, %get3A_152 : vector<16xf32>
        %slice3A_154 = vector.extract_strided_slice %get3A_55 {offsets = [5], sizes = [1], strides = [1]} : vector<16xi32> to vector<1xi32>
        %squeeze3A_155 = vector.extract %slice3A_154[0] : i32 from vector<1xi32>
        %get3A_156 = arith.index_cast %squeeze3A_155 : i32 to index
        %get3A_157 = tpu.vector_load %arg6[%get3A_156] {strides = array<i32>} : memref<114688xf32, #tpu.memory_space<vmem>>, vector<16xf32>,
        %mul3A_158 = arith.mulf %mul3A_138, %get3A_157 : vector<16xf32>
        %add3A_159 = arith.constant 16 : i32
        %add3A_160 = arith.addi %squeeze3A_155, %add3A_159 : i32
        %get3A_161 = arith.index_cast %add3A_160 : i32 to index
        %get3A_162 = tpu.vector_load %arg6[%get3A_161] {strides = array<i32>} : memref<114688xf32, #tpu.memory_space<vmem>>, vector<16xf32>,
        %mul3A_163 = arith.mulf %mul3A_143, %get3A_162 : vector<16xf32>
        %add3A_164 = arith.constant 32 : i32
        %add3A_165 = arith.addi %squeeze3A_155, %add3A_164 : i32
        %get3A_166 = arith.index_cast %add3A_165 : i32 to index
        %get3A_167 = tpu.vector_load %arg6[%get3A_166] {strides = array<i32>} : memref<114688xf32, #tpu.memory_space<vmem>>, vector<16xf32>,
        %mul3A_168 = arith.mulf %mul3A_148, %get3A_167 : vector<16xf32>
        %add3A_169 = arith.constant 48 : i32
        %add3A_170 = arith.addi %squeeze3A_155, %add3A_169 : i32
        %get3A_171 = arith.index_cast %add3A_170 : i32 to index
        %get3A_172 = tpu.vector_load %arg6[%get3A_171] {strides = array<i32>} : memref<114688xf32, #tpu.memory_space<vmem>>, vector<16xf32>,
        %mul3A_173 = arith.mulf %mul3A_153, %get3A_172 : vector<16xf32>
        %slice3A_174 = vector.extract_strided_slice %get3A_55 {offsets = [6], sizes = [1], strides = [1]} : vector<16xi32> to vector<1xi32>
        %squeeze3A_175 = vector.extract %slice3A_174[0] : i32 from vector<1xi32>
        %get3A_176 = arith.index_cast %squeeze3A_175 : i32 to index
        %get3A_177 = tpu.vector_load %arg6[%get3A_176] {strides = array<i32>} : memref<114688xf32, #tpu.memory_space<vmem>>, vector<16xf32>,
        %mul3A_178 = arith.mulf %mul3A_158, %get3A_177 : vector<16xf32>
        %add3A_179 = arith.constant 16 : i32
        %add3A_180 = arith.addi %squeeze3A_175, %add3A_179 : i32
        %get3A_181 = arith.index_cast %add3A_180 : i32 to index
        %get3A_182 = tpu.vector_load %arg6[%get3A_181] {strides = array<i32>} : memref<114688xf32, #tpu.memory_space<vmem>>, vector<16xf32>,
        %mul3A_183 = arith.mulf %mul3A_163, %get3A_182 : vector<16xf32>
        %add3A_184 = arith.constant 32 : i32
        %add3A_185 = arith.addi %squeeze3A_175, %add3A_184 : i32
        %get3A_186 = arith.index_cast %add3A_185 : i32 to index
        %get3A_187 = tpu.vector_load %arg6[%get3A_186] {strides = array<i32>} : memref<114688xf32, #tpu.memory_space<vmem>>, vector<16xf32>,
        %mul3A_188 = arith.mulf %mul3A_168, %get3A_187 : vector<16xf32>
        %add3A_189 = arith.constant 48 : i32
        %add3A_190 = arith.addi %squeeze3A_175, %add3A_189 : i32
        %get3A_191 = arith.index_cast %add3A_190 : i32 to index
        %get3A_192 = tpu.vector_load %arg6[%get3A_191] {strides = array<i32>} : memref<114688xf32, #tpu.memory_space<vmem>>, vector<16xf32>,
        %mul3A_193 = arith.mulf %mul3A_173, %get3A_192 : vector<16xf32>
        %slice3A_194 = vector.extract_strided_slice %get3A_55 {offsets = [7], sizes = [1], strides = [1]} : vector<16xi32> to vector<1xi32>
        %squeeze3A_195 = vector.extract %slice3A_194[0] : i32 from vector<1xi32>
        %get3A_196 = arith.index_cast %squeeze3A_195 : i32 to index
        %get3A_197 = tpu.vector_load %arg6[%get3A_196] {strides = array<i32>} : memref<114688xf32, #tpu.memory_space<vmem>>, vector<16xf32>,
        %mul3A_198 = arith.mulf %mul3A_178, %get3A_197 : vector<16xf32>
        %add3A_199 = arith.constant 16 : i32
        %add3A_200 = arith.addi %squeeze3A_195, %add3A_199 : i32
        %get3A_201 = arith.index_cast %add3A_200 : i32 to index
        %get3A_202 = tpu.vector_load %arg6[%get3A_201] {strides = array<i32>} : memref<114688xf32, #tpu.memory_space<vmem>>, vector<16xf32>,
        %mul3A_203 = arith.mulf %mul3A_183, %get3A_202 : vector<16xf32>
        %add3A_204 = arith.constant 32 : i32
        %add3A_205 = arith.addi %squeeze3A_195, %add3A_204 : i32
        %get3A_206 = arith.index_cast %add3A_205 : i32 to index
        %get3A_207 = tpu.vector_load %arg6[%get3A_206] {strides = array<i32>} : memref<114688xf32, #tpu.memory_space<vmem>>, vector<16xf32>,
        %mul3A_208 = arith.mulf %mul3A_188, %get3A_207 : vector<16xf32>
        %add3A_209 = arith.constant 48 : i32
        %add3A_210 = arith.addi %squeeze3A_195, %add3A_209 : i32
        %get3A_211 = arith.index_cast %add3A_210 : i32 to index
        %get3A_212 = tpu.vector_load %arg6[%get3A_211] {strides = array<i32>} : memref<114688xf32, #tpu.memory_space<vmem>>, vector<16xf32>,
        %mul3A_213 = arith.mulf %mul3A_193, %get3A_212 : vector<16xf32>
        %slice3A_214 = vector.extract_strided_slice %get3A_55 {offsets = [8], sizes = [1], strides = [1]} : vector<16xi32> to vector<1xi32>
        %squeeze3A_215 = vector.extract %slice3A_214[0] : i32 from vector<1xi32>
        %get3A_216 = arith.index_cast %squeeze3A_215 : i32 to index
        %get3A_217 = tpu.vector_load %arg6[%get3A_216] {strides = array<i32>} : memref<114688xf32, #tpu.memory_space<vmem>>, vector<16xf32>,
        %mul3A_218 = arith.mulf %mul3A_198, %get3A_217 : vector<16xf32>
        %add3A_219 = arith.constant 16 : i32
        %add3A_220 = arith.addi %squeeze3A_215, %add3A_219 : i32
        %get3A_221 = arith.index_cast %add3A_220 : i32 to index
        %get3A_222 = tpu.vector_load %arg6[%get3A_221] {strides = array<i32>} : memref<114688xf32, #tpu.memory_space<vmem>>, vector<16xf32>,
        %mul3A_223 = arith.mulf %mul3A_203, %get3A_222 : vector<16xf32>
        %add3A_224 = arith.constant 32 : i32
        %add3A_225 = arith.addi %squeeze3A_215, %add3A_224 : i32
        %get3A_226 = arith.index_cast %add3A_225 : i32 to index
        %get3A_227 = tpu.vector_load %arg6[%get3A_226] {strides = array<i32>} : memref<114688xf32, #tpu.memory_space<vmem>>, vector<16xf32>,
        %mul3A_228 = arith.mulf %mul3A_208, %get3A_227 : vector<16xf32>
        %add3A_229 = arith.constant 48 : i32
        %add3A_230 = arith.addi %squeeze3A_215, %add3A_229 : i32
        %get3A_231 = arith.index_cast %add3A_230 : i32 to index
        %get3A_232 = tpu.vector_load %arg6[%get3A_231] {strides = array<i32>} : memref<114688xf32, #tpu.memory_space<vmem>>, vector<16xf32>,
        %mul3A_233 = arith.mulf %mul3A_213, %get3A_232 : vector<16xf32>
        %slice3A_234 = vector.extract_strided_slice %get3A_55 {offsets = [9], sizes = [1], strides = [1]} : vector<16xi32> to vector<1xi32>
        %squeeze3A_235 = vector.extract %slice3A_234[0] : i32 from vector<1xi32>
        %get3A_236 = arith.index_cast %squeeze3A_235 : i32 to index
        %get3A_237 = tpu.vector_load %arg6[%get3A_236] {strides = array<i32>} : memref<114688xf32, #tpu.memory_space<vmem>>, vector<16xf32>,
        %mul3A_238 = arith.mulf %mul3A_218, %get3A_237 : vector<16xf32>
        %add3A_239 = arith.constant 16 : i32
        %add3A_240 = arith.addi %squeeze3A_235, %add3A_239 : i32
        %get3A_241 = arith.index_cast %add3A_240 : i32 to index
        %get3A_242 = tpu.vector_load %arg6[%get3A_241] {strides = array<i32>} : memref<114688xf32, #tpu.memory_space<vmem>>, vector<16xf32>,
        %mul3A_243 = arith.mulf %mul3A_223, %get3A_242 : vector<16xf32>
        %add3A_244 = arith.constant 32 : i32
        %add3A_245 = arith.addi %squeeze3A_235, %add3A_244 : i32
        %get3A_246 = arith.index_cast %add3A_245 : i32 to index
        %get3A_247 = tpu.vector_load %arg6[%get3A_246] {strides = array<i32>} : memref<114688xf32, #tpu.memory_space<vmem>>, vector<16xf32>,
        %mul3A_248 = arith.mulf %mul3A_228, %get3A_247 : vector<16xf32>
        %add3A_249 = arith.constant 48 : i32
        %add3A_250 = arith.addi %squeeze3A_235, %add3A_249 : i32
        %get3A_251 = arith.index_cast %add3A_250 : i32 to index
        %get3A_252 = tpu.vector_load %arg6[%get3A_251] {strides = array<i32>} : memref<114688xf32, #tpu.memory_space<vmem>>, vector<16xf32>,
        %mul3A_253 = arith.mulf %mul3A_233, %get3A_252 : vector<16xf32>
        %slice3A_254 = vector.extract_strided_slice %get3A_55 {offsets = [10], sizes = [1], strides = [1]} : vector<16xi32> to vector<1xi32>
        %squeeze3A_255 = vector.extract %slice3A_254[0] : i32 from vector<1xi32>
        %get3A_256 = arith.index_cast %squeeze3A_255 : i32 to index
        %get3A_257 = tpu.vector_load %arg6[%get3A_256] {strides = array<i32>} : memref<114688xf32, #tpu.memory_space<vmem>>, vector<16xf32>,
        %mul3A_258 = arith.mulf %mul3A_238, %get3A_257 : vector<16xf32>
        %add3A_259 = arith.constant 16 : i32
        %add3A_260 = arith.addi %squeeze3A_255, %add3A_259 : i32
        %get3A_261 = arith.index_cast %add3A_260 : i32 to index
        %get3A_262 = tpu.vector_load %arg6[%get3A_261] {strides = array<i32>} : memref<114688xf32, #tpu.memory_space<vmem>>, vector<16xf32>,
        %mul3A_263 = arith.mulf %mul3A_243, %get3A_262 : vector<16xf32>
        %add3A_264 = arith.constant 32 : i32
        %add3A_265 = arith.addi %squeeze3A_255, %add3A_264 : i32
        %get3A_266 = arith.index_cast %add3A_265 : i32 to index
        %get3A_267 = tpu.vector_load %arg6[%get3A_266] {strides = array<i32>} : memref<114688xf32, #tpu.memory_space<vmem>>, vector<16xf32>,
        %mul3A_268 = arith.mulf %mul3A_248, %get3A_267 : vector<16xf32>
        %add3A_269 = arith.constant 48 : i32
        %add3A_270 = arith.addi %squeeze3A_255, %add3A_269 : i32
        %get3A_271 = arith.index_cast %add3A_270 : i32 to index
        %get3A_272 = tpu.vector_load %arg6[%get3A_271] {strides = array<i32>} : memref<114688xf32, #tpu.memory_space<vmem>>, vector<16xf32>,
        %mul3A_273 = arith.mulf %mul3A_253, %get3A_272 : vector<16xf32>
        %slice3A_274 = vector.extract_strided_slice %get3A_55 {offsets = [11], sizes = [1], strides = [1]} : vector<16xi32> to vector<1xi32>
        %squeeze3A_275 = vector.extract %slice3A_274[0] : i32 from vector<1xi32>
        %get3A_276 = arith.index_cast %squeeze3A_275 : i32 to index
        %get3A_277 = tpu.vector_load %arg6[%get3A_276] {strides = array<i32>} : memref<114688xf32, #tpu.memory_space<vmem>>, vector<16xf32>,
        %mul3A_278 = arith.mulf %mul3A_258, %get3A_277 : vector<16xf32>
        %add3A_279 = arith.constant 16 : i32
        %add3A_280 = arith.addi %squeeze3A_275, %add3A_279 : i32
        %get3A_281 = arith.index_cast %add3A_280 : i32 to index
        %get3A_282 = tpu.vector_load %arg6[%get3A_281] {strides = array<i32>} : memref<114688xf32, #tpu.memory_space<vmem>>, vector<16xf32>,
        %mul3A_283 = arith.mulf %mul3A_263, %get3A_282 : vector<16xf32>
        %add3A_284 = arith.constant 32 : i32
        %add3A_285 = arith.addi %squeeze3A_275, %add3A_284 : i32
        %get3A_286 = arith.index_cast %add3A_285 : i32 to index
        %get3A_287 = tpu.vector_load %arg6[%get3A_286] {strides = array<i32>} : memref<114688xf32, #tpu.memory_space<vmem>>, vector<16xf32>,
        %mul3A_288 = arith.mulf %mul3A_268, %get3A_287 : vector<16xf32>
        %add3A_289 = arith.constant 48 : i32
        %add3A_290 = arith.addi %squeeze3A_275, %add3A_289 : i32
        %get3A_291 = arith.index_cast %add3A_290 : i32 to index
        %get3A_292 = tpu.vector_load %arg6[%get3A_291] {strides = array<i32>} : memref<114688xf32, #tpu.memory_space<vmem>>, vector<16xf32>,
        %mul3A_293 = arith.mulf %mul3A_273, %get3A_292 : vector<16xf32>
        %slice3A_294 = vector.extract_strided_slice %get3A_55 {offsets = [12], sizes = [1], strides = [1]} : vector<16xi32> to vector<1xi32>
        %squeeze3A_295 = vector.extract %slice3A_294[0] : i32 from vector<1xi32>
        %get3A_296 = arith.index_cast %squeeze3A_295 : i32 to index
        %get3A_297 = tpu.vector_load %arg6[%get3A_296] {strides = array<i32>} : memref<114688xf32, #tpu.memory_space<vmem>>, vector<16xf32>,
        %mul3A_298 = arith.mulf %mul3A_278, %get3A_297 : vector<16xf32>
        %add3A_299 = arith.constant 16 : i32
        %add3A_300 = arith.addi %squeeze3A_295, %add3A_299 : i32
        %get3A_301 = arith.index_cast %add3A_300 : i32 to index
        %get3A_302 = tpu.vector_load %arg6[%get3A_301] {strides = array<i32>} : memref<114688xf32, #tpu.memory_space<vmem>>, vector<16xf32>,
        %mul3A_303 = arith.mulf %mul3A_283, %get3A_302 : vector<16xf32>
        %add3A_304 = arith.constant 32 : i32
        %add3A_305 = arith.addi %squeeze3A_295, %add3A_304 : i32
        %get3A_306 = arith.index_cast %add3A_305 : i32 to index
        %get3A_307 = tpu.vector_load %arg6[%get3A_306] {strides = array<i32>} : memref<114688xf32, #tpu.memory_space<vmem>>, vector<16xf32>,
        %mul3A_308 = arith.mulf %mul3A_288, %get3A_307 : vector<16xf32>
        %add3A_309 = arith.constant 48 : i32
        %add3A_310 = arith.addi %squeeze3A_295, %add3A_309 : i32
        %get3A_311 = arith.index_cast %add3A_310 : i32 to index
        %get3A_312 = tpu.vector_load %arg6[%get3A_311] {strides = array<i32>} : memref<114688xf32, #tpu.memory_space<vmem>>, vector<16xf32>,
        %mul3A_313 = arith.mulf %mul3A_293, %get3A_312 : vector<16xf32>
        %slice3A_314 = vector.extract_strided_slice %get3A_55 {offsets = [13], sizes = [1], strides = [1]} : vector<16xi32> to vector<1xi32>
        %squeeze3A_315 = vector.extract %slice3A_314[0] : i32 from vector<1xi32>
        %get3A_316 = arith.index_cast %squeeze3A_315 : i32 to index
        %get3A_317 = tpu.vector_load %arg6[%get3A_316] {strides = array<i32>} : memref<114688xf32, #tpu.memory_space<vmem>>, vector<16xf32>,
        %mul3A_318 = arith.mulf %mul3A_298, %get3A_317 : vector<16xf32>
        %add3A_319 = arith.constant 16 : i32
        %add3A_320 = arith.addi %squeeze3A_315, %add3A_319 : i32
        %get3A_321 = arith.index_cast %add3A_320 : i32 to index
        %get3A_322 = tpu.vector_load %arg6[%get3A_321] {strides = array<i32>} : memref<114688xf32, #tpu.memory_space<vmem>>, vector<16xf32>,
        %mul3A_323 = arith.mulf %mul3A_303, %get3A_322 : vector<16xf32>
        %add3A_324 = arith.constant 32 : i32
        %add3A_325 = arith.addi %squeeze3A_315, %add3A_324 : i32
        %get3A_326 = arith.index_cast %add3A_325 : i32 to index
        %get3A_327 = tpu.vector_load %arg6[%get3A_326] {strides = array<i32>} : memref<114688xf32, #tpu.memory_space<vmem>>, vector<16xf32>,
        %mul3A_328 = arith.mulf %mul3A_308, %get3A_327 : vector<16xf32>
        %add3A_329 = arith.constant 48 : i32
        %add3A_330 = arith.addi %squeeze3A_315, %add3A_329 : i32
        %get3A_331 = arith.index_cast %add3A_330 : i32 to index
        %get3A_332 = tpu.vector_load %arg6[%get3A_331] {strides = array<i32>} : memref<114688xf32, #tpu.memory_space<vmem>>, vector<16xf32>,
        %mul3A_333 = arith.mulf %mul3A_313, %get3A_332 : vector<16xf32>
        %slice3A_334 = vector.extract_strided_slice %get3A_55 {offsets = [14], sizes = [1], strides = [1]} : vector<16xi32> to vector<1xi32>
        %squeeze3A_335 = vector.extract %slice3A_334[0] : i32 from vector<1xi32>
        %get3A_336 = arith.index_cast %squeeze3A_335 : i32 to index
        %get3A_337 = tpu.vector_load %arg6[%get3A_336] {strides = array<i32>} : memref<114688xf32, #tpu.memory_space<vmem>>, vector<16xf32>,
        %mul3A_338 = arith.mulf %mul3A_318, %get3A_337 : vector<16xf32>
        %add3A_339 = arith.constant 16 : i32
        %add3A_340 = arith.addi %squeeze3A_335, %add3A_339 : i32
        %get3A_341 = arith.index_cast %add3A_340 : i32 to index
        %get3A_342 = tpu.vector_load %arg6[%get3A_341] {strides = array<i32>} : memref<114688xf32, #tpu.memory_space<vmem>>, vector<16xf32>,
        %mul3A_343 = arith.mulf %mul3A_323, %get3A_342 : vector<16xf32>
        %add3A_344 = arith.constant 32 : i32
        %add3A_345 = arith.addi %squeeze3A_335, %add3A_344 : i32
        %get3A_346 = arith.index_cast %add3A_345 : i32 to index
        %get3A_347 = tpu.vector_load %arg6[%get3A_346] {strides = array<i32>} : memref<114688xf32, #tpu.memory_space<vmem>>, vector<16xf32>,
        %mul3A_348 = arith.mulf %mul3A_328, %get3A_347 : vector<16xf32>
        %add3A_349 = arith.constant 48 : i32
        %add3A_350 = arith.addi %squeeze3A_335, %add3A_349 : i32
        %get3A_351 = arith.index_cast %add3A_350 : i32 to index
        %get3A_352 = tpu.vector_load %arg6[%get3A_351] {strides = array<i32>} : memref<114688xf32, #tpu.memory_space<vmem>>, vector<16xf32>,
        %mul3A_353 = arith.mulf %mul3A_333, %get3A_352 : vector<16xf32>
        %slice3A_354 = vector.extract_strided_slice %get3A_55 {offsets = [15], sizes = [1], strides = [1]} : vector<16xi32> to vector<1xi32>
        %squeeze3A_355 = vector.extract %slice3A_354[0] : i32 from vector<1xi32>
        %get3A_356 = arith.index_cast %squeeze3A_355 : i32 to index
        %get3A_357 = tpu.vector_load %arg6[%get3A_356] {strides = array<i32>} : memref<114688xf32, #tpu.memory_space<vmem>>, vector<16xf32>,
        %mul3A_358 = arith.mulf %mul3A_338, %get3A_357 : vector<16xf32>
        %add3A_359 = arith.constant 16 : i32
        %add3A_360 = arith.addi %squeeze3A_355, %add3A_359 : i32
        %get3A_361 = arith.index_cast %add3A_360 : i32 to index
        %get3A_362 = tpu.vector_load %arg6[%get3A_361] {strides = array<i32>} : memref<114688xf32, #tpu.memory_space<vmem>>, vector<16xf32>,
        %mul3A_363 = arith.mulf %mul3A_343, %get3A_362 : vector<16xf32>
        %add3A_364 = arith.constant 32 : i32
        %add3A_365 = arith.addi %squeeze3A_355, %add3A_364 : i32
        %get3A_366 = arith.index_cast %add3A_365 : i32 to index
        %get3A_367 = tpu.vector_load %arg6[%get3A_366] {strides = array<i32>} : memref<114688xf32, #tpu.memory_space<vmem>>, vector<16xf32>,
        %mul3A_368 = arith.mulf %mul3A_348, %get3A_367 : vector<16xf32>
        %add3A_369 = arith.constant 48 : i32
        %add3A_370 = arith.addi %squeeze3A_355, %add3A_369 : i32
        %get3A_371 = arith.index_cast %add3A_370 : i32 to index
        %get3A_372 = tpu.vector_load %arg6[%get3A_371] {strides = array<i32>} : memref<114688xf32, #tpu.memory_space<vmem>>, vector<16xf32>,
        %mul3A_373 = arith.mulf %mul3A_353, %get3A_372 : vector<16xf32>
        scf.yield %mul3A_358, %mul3A_363, %mul3A_368, %mul3A_373 : vector<16xf32>, vector<16xf32>, vector<16xf32>, vector<16xf32>
      }
      %scan3A_35 = arith.constant 9 : i32
      %add3A_36 = arith.addf %scan3A_34#0, %scan3A_34#1 : vector<16xf32>
      %add3A_37 = arith.addf %scan3A_34#2, %scan3A_34#3 : vector<16xf32>
      %add3A_38 = arith.addf %add3A_36, %add3A_37 : vector<16xf32>
      %reduce_sum3A = arith.constant true
      %reduce_sum3A_39 = vector.broadcast %reduce_sum3A : i1 to vector<16xi1>
      %reduce_sum3A_40 = tpu.scan <sum>, %add3A_38 masked %reduce_sum3A_39 : vector<16xf32>, vector<16xi1> -> vector<16xf32>
      %reduce_sum3A_41 = vector.extract %reduce_sum3A_40[15] : f32 from vector<16xf32>
      %eq3A_42 = vector.broadcast %scan3A_26 : i32 to vector<16xi32>
      %eq3A_43 = arith.cmpi eq, %iota3A, %eq3A_42 : vector<16xi32>
      %broadcast_in_dim3A_44 = vector.broadcast %reduce_sum3A_41 : f32 to vector<16xf32>
      %select_n3A = arith.select %eq3A_43, %broadcast_in_dim3A_44, %scan3A_27 : vector<16xi1>, vector<16xf32>
      scf.yield %select_n3A : vector<16xf32>
    }
    %scan3A_14 = arith.constant 16 : i32
    %swap3A = arith.constant 0 : index
    %swap3A_15 = tpu.vector_load %arg7[%swap3A] {strides = array<i32>} : memref<32xf32, #tpu.memory_space<vmem>>, vector<16xf32>,
    tpu.vector_store %arg7[%swap3A], %scan3A_13 {strides = array<i32>} : memref<32xf32, #tpu.memory_space<vmem>>, vector<16xf32>,
    %broadcast_in_dim3A_16 = arith.constant 0.000000e+00 : f32
    %broadcast_in_dim3A_17 = vector.broadcast %broadcast_in_dim3A_16 : f32 to vector<16xf32>
    %scan3A_18 = arith.constant 0 : i32
    %scan3A_19 = arith.constant 16 : i32
    %scan3A_20 = arith.addi %scan3A_18, %scan3A_19 : i32
    %scan3A_21 = arith.constant 1 : i32
    %scan3A_22 = scf.for %scan3A_26 = %scan3A_18 to %scan3A_20 step %scan3A_21 iter_args(%scan3A_27 = %broadcast_in_dim3A_17) -> (vector<16xf32>)  : i32 {
      %add3A_28 = arith.constant 16 : i32
      %add3A_29 = arith.addi %add3A_28, %scan3A_26 : i32
      %scan3A_30 = arith.constant 0 : i32
      %scan3A_31 = arith.constant 9 : i32
      %scan3A_32 = arith.addi %scan3A_30, %scan3A_31 : i32
      %scan3A_33 = arith.constant 1 : i32
      %scan3A_34:4 = scf.for %scan3A_45 = %scan3A_30 to %scan3A_32 step %scan3A_33 iter_args(%scan3A_46 = %broadcast_in_dim3A_7, %scan3A_47 = %broadcast_in_dim3A_7, %scan3A_48 = %broadcast_in_dim3A_7, %scan3A_49 = %broadcast_in_dim3A_7) -> (vector<16xf32>, vector<16xf32>, vector<16xf32>, vector<16xf32>)  : i32 {
        %mul3A_50 = arith.constant 144 : i32
        %mul3A_51 = arith.muli %add3A_29, %mul3A_50 : i32
        %mul3A_52 = arith.constant 16 : i32
        %mul3A_53 = arith.muli %scan3A_45, %mul3A_52 : i32
        %add3A_54 = arith.addi %mul3A_51, %mul3A_53 : i32
        %get3A = arith.index_cast %add3A_54 : i32 to index
        %get3A_55 = tpu.vector_load %arg5[%get3A] {strides = array<i32>} : memref<4608xi32, #tpu.memory_space<vmem>>, vector<16xi32>,
        %slice3A = vector.extract_strided_slice %get3A_55 {offsets = [0], sizes = [1], strides = [1]} : vector<16xi32> to vector<1xi32>
        %squeeze3A = vector.extract %slice3A[0] : i32 from vector<1xi32>
        %get3A_56 = arith.index_cast %squeeze3A : i32 to index
        %get3A_57 = tpu.vector_load %arg6[%get3A_56] {strides = array<i32>} : memref<114688xf32, #tpu.memory_space<vmem>>, vector<16xf32>,
        %mul3A_58 = arith.mulf %scan3A_46, %get3A_57 : vector<16xf32>
        %add3A_59 = arith.constant 16 : i32
        %add3A_60 = arith.addi %squeeze3A, %add3A_59 : i32
        %get3A_61 = arith.index_cast %add3A_60 : i32 to index
        %get3A_62 = tpu.vector_load %arg6[%get3A_61] {strides = array<i32>} : memref<114688xf32, #tpu.memory_space<vmem>>, vector<16xf32>,
        %mul3A_63 = arith.mulf %scan3A_47, %get3A_62 : vector<16xf32>
        %add3A_64 = arith.constant 32 : i32
        %add3A_65 = arith.addi %squeeze3A, %add3A_64 : i32
        %get3A_66 = arith.index_cast %add3A_65 : i32 to index
        %get3A_67 = tpu.vector_load %arg6[%get3A_66] {strides = array<i32>} : memref<114688xf32, #tpu.memory_space<vmem>>, vector<16xf32>,
        %mul3A_68 = arith.mulf %scan3A_48, %get3A_67 : vector<16xf32>
        %add3A_69 = arith.constant 48 : i32
        %add3A_70 = arith.addi %squeeze3A, %add3A_69 : i32
        %get3A_71 = arith.index_cast %add3A_70 : i32 to index
        %get3A_72 = tpu.vector_load %arg6[%get3A_71] {strides = array<i32>} : memref<114688xf32, #tpu.memory_space<vmem>>, vector<16xf32>,
        %mul3A_73 = arith.mulf %scan3A_49, %get3A_72 : vector<16xf32>
        %slice3A_74 = vector.extract_strided_slice %get3A_55 {offsets = [1], sizes = [1], strides = [1]} : vector<16xi32> to vector<1xi32>
        %squeeze3A_75 = vector.extract %slice3A_74[0] : i32 from vector<1xi32>
        %get3A_76 = arith.index_cast %squeeze3A_75 : i32 to index
        %get3A_77 = tpu.vector_load %arg6[%get3A_76] {strides = array<i32>} : memref<114688xf32, #tpu.memory_space<vmem>>, vector<16xf32>,
        %mul3A_78 = arith.mulf %mul3A_58, %get3A_77 : vector<16xf32>
        %add3A_79 = arith.constant 16 : i32
        %add3A_80 = arith.addi %squeeze3A_75, %add3A_79 : i32
        %get3A_81 = arith.index_cast %add3A_80 : i32 to index
        %get3A_82 = tpu.vector_load %arg6[%get3A_81] {strides = array<i32>} : memref<114688xf32, #tpu.memory_space<vmem>>, vector<16xf32>,
        %mul3A_83 = arith.mulf %mul3A_63, %get3A_82 : vector<16xf32>
        %add3A_84 = arith.constant 32 : i32
        %add3A_85 = arith.addi %squeeze3A_75, %add3A_84 : i32
        %get3A_86 = arith.index_cast %add3A_85 : i32 to index
        %get3A_87 = tpu.vector_load %arg6[%get3A_86] {strides = array<i32>} : memref<114688xf32, #tpu.memory_space<vmem>>, vector<16xf32>,
        %mul3A_88 = arith.mulf %mul3A_68, %get3A_87 : vector<16xf32>
        %add3A_89 = arith.constant 48 : i32
        %add3A_90 = arith.addi %squeeze3A_75, %add3A_89 : i32
        %get3A_91 = arith.index_cast %add3A_90 : i32 to index
        %get3A_92 = tpu.vector_load %arg6[%get3A_91] {strides = array<i32>} : memref<114688xf32, #tpu.memory_space<vmem>>, vector<16xf32>,
        %mul3A_93 = arith.mulf %mul3A_73, %get3A_92 : vector<16xf32>
        %slice3A_94 = vector.extract_strided_slice %get3A_55 {offsets = [2], sizes = [1], strides = [1]} : vector<16xi32> to vector<1xi32>
        %squeeze3A_95 = vector.extract %slice3A_94[0] : i32 from vector<1xi32>
        %get3A_96 = arith.index_cast %squeeze3A_95 : i32 to index
        %get3A_97 = tpu.vector_load %arg6[%get3A_96] {strides = array<i32>} : memref<114688xf32, #tpu.memory_space<vmem>>, vector<16xf32>,
        %mul3A_98 = arith.mulf %mul3A_78, %get3A_97 : vector<16xf32>
        %add3A_99 = arith.constant 16 : i32
        %add3A_100 = arith.addi %squeeze3A_95, %add3A_99 : i32
        %get3A_101 = arith.index_cast %add3A_100 : i32 to index
        %get3A_102 = tpu.vector_load %arg6[%get3A_101] {strides = array<i32>} : memref<114688xf32, #tpu.memory_space<vmem>>, vector<16xf32>,
        %mul3A_103 = arith.mulf %mul3A_83, %get3A_102 : vector<16xf32>
        %add3A_104 = arith.constant 32 : i32
        %add3A_105 = arith.addi %squeeze3A_95, %add3A_104 : i32
        %get3A_106 = arith.index_cast %add3A_105 : i32 to index
        %get3A_107 = tpu.vector_load %arg6[%get3A_106] {strides = array<i32>} : memref<114688xf32, #tpu.memory_space<vmem>>, vector<16xf32>,
        %mul3A_108 = arith.mulf %mul3A_88, %get3A_107 : vector<16xf32>
        %add3A_109 = arith.constant 48 : i32
        %add3A_110 = arith.addi %squeeze3A_95, %add3A_109 : i32
        %get3A_111 = arith.index_cast %add3A_110 : i32 to index
        %get3A_112 = tpu.vector_load %arg6[%get3A_111] {strides = array<i32>} : memref<114688xf32, #tpu.memory_space<vmem>>, vector<16xf32>,
        %mul3A_113 = arith.mulf %mul3A_93, %get3A_112 : vector<16xf32>
        %slice3A_114 = vector.extract_strided_slice %get3A_55 {offsets = [3], sizes = [1], strides = [1]} : vector<16xi32> to vector<1xi32>
        %squeeze3A_115 = vector.extract %slice3A_114[0] : i32 from vector<1xi32>
        %get3A_116 = arith.index_cast %squeeze3A_115 : i32 to index
        %get3A_117 = tpu.vector_load %arg6[%get3A_116] {strides = array<i32>} : memref<114688xf32, #tpu.memory_space<vmem>>, vector<16xf32>,
        %mul3A_118 = arith.mulf %mul3A_98, %get3A_117 : vector<16xf32>
        %add3A_119 = arith.constant 16 : i32
        %add3A_120 = arith.addi %squeeze3A_115, %add3A_119 : i32
        %get3A_121 = arith.index_cast %add3A_120 : i32 to index
        %get3A_122 = tpu.vector_load %arg6[%get3A_121] {strides = array<i32>} : memref<114688xf32, #tpu.memory_space<vmem>>, vector<16xf32>,
        %mul3A_123 = arith.mulf %mul3A_103, %get3A_122 : vector<16xf32>
        %add3A_124 = arith.constant 32 : i32
        %add3A_125 = arith.addi %squeeze3A_115, %add3A_124 : i32
        %get3A_126 = arith.index_cast %add3A_125 : i32 to index
        %get3A_127 = tpu.vector_load %arg6[%get3A_126] {strides = array<i32>} : memref<114688xf32, #tpu.memory_space<vmem>>, vector<16xf32>,
        %mul3A_128 = arith.mulf %mul3A_108, %get3A_127 : vector<16xf32>
        %add3A_129 = arith.constant 48 : i32
        %add3A_130 = arith.addi %squeeze3A_115, %add3A_129 : i32
        %get3A_131 = arith.index_cast %add3A_130 : i32 to index
        %get3A_132 = tpu.vector_load %arg6[%get3A_131] {strides = array<i32>} : memref<114688xf32, #tpu.memory_space<vmem>>, vector<16xf32>,
        %mul3A_133 = arith.mulf %mul3A_113, %get3A_132 : vector<16xf32>
        %slice3A_134 = vector.extract_strided_slice %get3A_55 {offsets = [4], sizes = [1], strides = [1]} : vector<16xi32> to vector<1xi32>
        %squeeze3A_135 = vector.extract %slice3A_134[0] : i32 from vector<1xi32>
        %get3A_136 = arith.index_cast %squeeze3A_135 : i32 to index
        %get3A_137 = tpu.vector_load %arg6[%get3A_136] {strides = array<i32>} : memref<114688xf32, #tpu.memory_space<vmem>>, vector<16xf32>,
        %mul3A_138 = arith.mulf %mul3A_118, %get3A_137 : vector<16xf32>
        %add3A_139 = arith.constant 16 : i32
        %add3A_140 = arith.addi %squeeze3A_135, %add3A_139 : i32
        %get3A_141 = arith.index_cast %add3A_140 : i32 to index
        %get3A_142 = tpu.vector_load %arg6[%get3A_141] {strides = array<i32>} : memref<114688xf32, #tpu.memory_space<vmem>>, vector<16xf32>,
        %mul3A_143 = arith.mulf %mul3A_123, %get3A_142 : vector<16xf32>
        %add3A_144 = arith.constant 32 : i32
        %add3A_145 = arith.addi %squeeze3A_135, %add3A_144 : i32
        %get3A_146 = arith.index_cast %add3A_145 : i32 to index
        %get3A_147 = tpu.vector_load %arg6[%get3A_146] {strides = array<i32>} : memref<114688xf32, #tpu.memory_space<vmem>>, vector<16xf32>,
        %mul3A_148 = arith.mulf %mul3A_128, %get3A_147 : vector<16xf32>
        %add3A_149 = arith.constant 48 : i32
        %add3A_150 = arith.addi %squeeze3A_135, %add3A_149 : i32
        %get3A_151 = arith.index_cast %add3A_150 : i32 to index
        %get3A_152 = tpu.vector_load %arg6[%get3A_151] {strides = array<i32>} : memref<114688xf32, #tpu.memory_space<vmem>>, vector<16xf32>,
        %mul3A_153 = arith.mulf %mul3A_133, %get3A_152 : vector<16xf32>
        %slice3A_154 = vector.extract_strided_slice %get3A_55 {offsets = [5], sizes = [1], strides = [1]} : vector<16xi32> to vector<1xi32>
        %squeeze3A_155 = vector.extract %slice3A_154[0] : i32 from vector<1xi32>
        %get3A_156 = arith.index_cast %squeeze3A_155 : i32 to index
        %get3A_157 = tpu.vector_load %arg6[%get3A_156] {strides = array<i32>} : memref<114688xf32, #tpu.memory_space<vmem>>, vector<16xf32>,
        %mul3A_158 = arith.mulf %mul3A_138, %get3A_157 : vector<16xf32>
        %add3A_159 = arith.constant 16 : i32
        %add3A_160 = arith.addi %squeeze3A_155, %add3A_159 : i32
        %get3A_161 = arith.index_cast %add3A_160 : i32 to index
        %get3A_162 = tpu.vector_load %arg6[%get3A_161] {strides = array<i32>} : memref<114688xf32, #tpu.memory_space<vmem>>, vector<16xf32>,
        %mul3A_163 = arith.mulf %mul3A_143, %get3A_162 : vector<16xf32>
        %add3A_164 = arith.constant 32 : i32
        %add3A_165 = arith.addi %squeeze3A_155, %add3A_164 : i32
        %get3A_166 = arith.index_cast %add3A_165 : i32 to index
        %get3A_167 = tpu.vector_load %arg6[%get3A_166] {strides = array<i32>} : memref<114688xf32, #tpu.memory_space<vmem>>, vector<16xf32>,
        %mul3A_168 = arith.mulf %mul3A_148, %get3A_167 : vector<16xf32>
        %add3A_169 = arith.constant 48 : i32
        %add3A_170 = arith.addi %squeeze3A_155, %add3A_169 : i32
        %get3A_171 = arith.index_cast %add3A_170 : i32 to index
        %get3A_172 = tpu.vector_load %arg6[%get3A_171] {strides = array<i32>} : memref<114688xf32, #tpu.memory_space<vmem>>, vector<16xf32>,
        %mul3A_173 = arith.mulf %mul3A_153, %get3A_172 : vector<16xf32>
        %slice3A_174 = vector.extract_strided_slice %get3A_55 {offsets = [6], sizes = [1], strides = [1]} : vector<16xi32> to vector<1xi32>
        %squeeze3A_175 = vector.extract %slice3A_174[0] : i32 from vector<1xi32>
        %get3A_176 = arith.index_cast %squeeze3A_175 : i32 to index
        %get3A_177 = tpu.vector_load %arg6[%get3A_176] {strides = array<i32>} : memref<114688xf32, #tpu.memory_space<vmem>>, vector<16xf32>,
        %mul3A_178 = arith.mulf %mul3A_158, %get3A_177 : vector<16xf32>
        %add3A_179 = arith.constant 16 : i32
        %add3A_180 = arith.addi %squeeze3A_175, %add3A_179 : i32
        %get3A_181 = arith.index_cast %add3A_180 : i32 to index
        %get3A_182 = tpu.vector_load %arg6[%get3A_181] {strides = array<i32>} : memref<114688xf32, #tpu.memory_space<vmem>>, vector<16xf32>,
        %mul3A_183 = arith.mulf %mul3A_163, %get3A_182 : vector<16xf32>
        %add3A_184 = arith.constant 32 : i32
        %add3A_185 = arith.addi %squeeze3A_175, %add3A_184 : i32
        %get3A_186 = arith.index_cast %add3A_185 : i32 to index
        %get3A_187 = tpu.vector_load %arg6[%get3A_186] {strides = array<i32>} : memref<114688xf32, #tpu.memory_space<vmem>>, vector<16xf32>,
        %mul3A_188 = arith.mulf %mul3A_168, %get3A_187 : vector<16xf32>
        %add3A_189 = arith.constant 48 : i32
        %add3A_190 = arith.addi %squeeze3A_175, %add3A_189 : i32
        %get3A_191 = arith.index_cast %add3A_190 : i32 to index
        %get3A_192 = tpu.vector_load %arg6[%get3A_191] {strides = array<i32>} : memref<114688xf32, #tpu.memory_space<vmem>>, vector<16xf32>,
        %mul3A_193 = arith.mulf %mul3A_173, %get3A_192 : vector<16xf32>
        %slice3A_194 = vector.extract_strided_slice %get3A_55 {offsets = [7], sizes = [1], strides = [1]} : vector<16xi32> to vector<1xi32>
        %squeeze3A_195 = vector.extract %slice3A_194[0] : i32 from vector<1xi32>
        %get3A_196 = arith.index_cast %squeeze3A_195 : i32 to index
        %get3A_197 = tpu.vector_load %arg6[%get3A_196] {strides = array<i32>} : memref<114688xf32, #tpu.memory_space<vmem>>, vector<16xf32>,
        %mul3A_198 = arith.mulf %mul3A_178, %get3A_197 : vector<16xf32>
        %add3A_199 = arith.constant 16 : i32
        %add3A_200 = arith.addi %squeeze3A_195, %add3A_199 : i32
        %get3A_201 = arith.index_cast %add3A_200 : i32 to index
        %get3A_202 = tpu.vector_load %arg6[%get3A_201] {strides = array<i32>} : memref<114688xf32, #tpu.memory_space<vmem>>, vector<16xf32>,
        %mul3A_203 = arith.mulf %mul3A_183, %get3A_202 : vector<16xf32>
        %add3A_204 = arith.constant 32 : i32
        %add3A_205 = arith.addi %squeeze3A_195, %add3A_204 : i32
        %get3A_206 = arith.index_cast %add3A_205 : i32 to index
        %get3A_207 = tpu.vector_load %arg6[%get3A_206] {strides = array<i32>} : memref<114688xf32, #tpu.memory_space<vmem>>, vector<16xf32>,
        %mul3A_208 = arith.mulf %mul3A_188, %get3A_207 : vector<16xf32>
        %add3A_209 = arith.constant 48 : i32
        %add3A_210 = arith.addi %squeeze3A_195, %add3A_209 : i32
        %get3A_211 = arith.index_cast %add3A_210 : i32 to index
        %get3A_212 = tpu.vector_load %arg6[%get3A_211] {strides = array<i32>} : memref<114688xf32, #tpu.memory_space<vmem>>, vector<16xf32>,
        %mul3A_213 = arith.mulf %mul3A_193, %get3A_212 : vector<16xf32>
        %slice3A_214 = vector.extract_strided_slice %get3A_55 {offsets = [8], sizes = [1], strides = [1]} : vector<16xi32> to vector<1xi32>
        %squeeze3A_215 = vector.extract %slice3A_214[0] : i32 from vector<1xi32>
        %get3A_216 = arith.index_cast %squeeze3A_215 : i32 to index
        %get3A_217 = tpu.vector_load %arg6[%get3A_216] {strides = array<i32>} : memref<114688xf32, #tpu.memory_space<vmem>>, vector<16xf32>,
        %mul3A_218 = arith.mulf %mul3A_198, %get3A_217 : vector<16xf32>
        %add3A_219 = arith.constant 16 : i32
        %add3A_220 = arith.addi %squeeze3A_215, %add3A_219 : i32
        %get3A_221 = arith.index_cast %add3A_220 : i32 to index
        %get3A_222 = tpu.vector_load %arg6[%get3A_221] {strides = array<i32>} : memref<114688xf32, #tpu.memory_space<vmem>>, vector<16xf32>,
        %mul3A_223 = arith.mulf %mul3A_203, %get3A_222 : vector<16xf32>
        %add3A_224 = arith.constant 32 : i32
        %add3A_225 = arith.addi %squeeze3A_215, %add3A_224 : i32
        %get3A_226 = arith.index_cast %add3A_225 : i32 to index
        %get3A_227 = tpu.vector_load %arg6[%get3A_226] {strides = array<i32>} : memref<114688xf32, #tpu.memory_space<vmem>>, vector<16xf32>,
        %mul3A_228 = arith.mulf %mul3A_208, %get3A_227 : vector<16xf32>
        %add3A_229 = arith.constant 48 : i32
        %add3A_230 = arith.addi %squeeze3A_215, %add3A_229 : i32
        %get3A_231 = arith.index_cast %add3A_230 : i32 to index
        %get3A_232 = tpu.vector_load %arg6[%get3A_231] {strides = array<i32>} : memref<114688xf32, #tpu.memory_space<vmem>>, vector<16xf32>,
        %mul3A_233 = arith.mulf %mul3A_213, %get3A_232 : vector<16xf32>
        %slice3A_234 = vector.extract_strided_slice %get3A_55 {offsets = [9], sizes = [1], strides = [1]} : vector<16xi32> to vector<1xi32>
        %squeeze3A_235 = vector.extract %slice3A_234[0] : i32 from vector<1xi32>
        %get3A_236 = arith.index_cast %squeeze3A_235 : i32 to index
        %get3A_237 = tpu.vector_load %arg6[%get3A_236] {strides = array<i32>} : memref<114688xf32, #tpu.memory_space<vmem>>, vector<16xf32>,
        %mul3A_238 = arith.mulf %mul3A_218, %get3A_237 : vector<16xf32>
        %add3A_239 = arith.constant 16 : i32
        %add3A_240 = arith.addi %squeeze3A_235, %add3A_239 : i32
        %get3A_241 = arith.index_cast %add3A_240 : i32 to index
        %get3A_242 = tpu.vector_load %arg6[%get3A_241] {strides = array<i32>} : memref<114688xf32, #tpu.memory_space<vmem>>, vector<16xf32>,
        %mul3A_243 = arith.mulf %mul3A_223, %get3A_242 : vector<16xf32>
        %add3A_244 = arith.constant 32 : i32
        %add3A_245 = arith.addi %squeeze3A_235, %add3A_244 : i32
        %get3A_246 = arith.index_cast %add3A_245 : i32 to index
        %get3A_247 = tpu.vector_load %arg6[%get3A_246] {strides = array<i32>} : memref<114688xf32, #tpu.memory_space<vmem>>, vector<16xf32>,
        %mul3A_248 = arith.mulf %mul3A_228, %get3A_247 : vector<16xf32>
        %add3A_249 = arith.constant 48 : i32
        %add3A_250 = arith.addi %squeeze3A_235, %add3A_249 : i32
        %get3A_251 = arith.index_cast %add3A_250 : i32 to index
        %get3A_252 = tpu.vector_load %arg6[%get3A_251] {strides = array<i32>} : memref<114688xf32, #tpu.memory_space<vmem>>, vector<16xf32>,
        %mul3A_253 = arith.mulf %mul3A_233, %get3A_252 : vector<16xf32>
        %slice3A_254 = vector.extract_strided_slice %get3A_55 {offsets = [10], sizes = [1], strides = [1]} : vector<16xi32> to vector<1xi32>
        %squeeze3A_255 = vector.extract %slice3A_254[0] : i32 from vector<1xi32>
        %get3A_256 = arith.index_cast %squeeze3A_255 : i32 to index
        %get3A_257 = tpu.vector_load %arg6[%get3A_256] {strides = array<i32>} : memref<114688xf32, #tpu.memory_space<vmem>>, vector<16xf32>,
        %mul3A_258 = arith.mulf %mul3A_238, %get3A_257 : vector<16xf32>
        %add3A_259 = arith.constant 16 : i32
        %add3A_260 = arith.addi %squeeze3A_255, %add3A_259 : i32
        %get3A_261 = arith.index_cast %add3A_260 : i32 to index
        %get3A_262 = tpu.vector_load %arg6[%get3A_261] {strides = array<i32>} : memref<114688xf32, #tpu.memory_space<vmem>>, vector<16xf32>,
        %mul3A_263 = arith.mulf %mul3A_243, %get3A_262 : vector<16xf32>
        %add3A_264 = arith.constant 32 : i32
        %add3A_265 = arith.addi %squeeze3A_255, %add3A_264 : i32
        %get3A_266 = arith.index_cast %add3A_265 : i32 to index
        %get3A_267 = tpu.vector_load %arg6[%get3A_266] {strides = array<i32>} : memref<114688xf32, #tpu.memory_space<vmem>>, vector<16xf32>,
        %mul3A_268 = arith.mulf %mul3A_248, %get3A_267 : vector<16xf32>
        %add3A_269 = arith.constant 48 : i32
        %add3A_270 = arith.addi %squeeze3A_255, %add3A_269 : i32
        %get3A_271 = arith.index_cast %add3A_270 : i32 to index
        %get3A_272 = tpu.vector_load %arg6[%get3A_271] {strides = array<i32>} : memref<114688xf32, #tpu.memory_space<vmem>>, vector<16xf32>,
        %mul3A_273 = arith.mulf %mul3A_253, %get3A_272 : vector<16xf32>
        %slice3A_274 = vector.extract_strided_slice %get3A_55 {offsets = [11], sizes = [1], strides = [1]} : vector<16xi32> to vector<1xi32>
        %squeeze3A_275 = vector.extract %slice3A_274[0] : i32 from vector<1xi32>
        %get3A_276 = arith.index_cast %squeeze3A_275 : i32 to index
        %get3A_277 = tpu.vector_load %arg6[%get3A_276] {strides = array<i32>} : memref<114688xf32, #tpu.memory_space<vmem>>, vector<16xf32>,
        %mul3A_278 = arith.mulf %mul3A_258, %get3A_277 : vector<16xf32>
        %add3A_279 = arith.constant 16 : i32
        %add3A_280 = arith.addi %squeeze3A_275, %add3A_279 : i32
        %get3A_281 = arith.index_cast %add3A_280 : i32 to index
        %get3A_282 = tpu.vector_load %arg6[%get3A_281] {strides = array<i32>} : memref<114688xf32, #tpu.memory_space<vmem>>, vector<16xf32>,
        %mul3A_283 = arith.mulf %mul3A_263, %get3A_282 : vector<16xf32>
        %add3A_284 = arith.constant 32 : i32
        %add3A_285 = arith.addi %squeeze3A_275, %add3A_284 : i32
        %get3A_286 = arith.index_cast %add3A_285 : i32 to index
        %get3A_287 = tpu.vector_load %arg6[%get3A_286] {strides = array<i32>} : memref<114688xf32, #tpu.memory_space<vmem>>, vector<16xf32>,
        %mul3A_288 = arith.mulf %mul3A_268, %get3A_287 : vector<16xf32>
        %add3A_289 = arith.constant 48 : i32
        %add3A_290 = arith.addi %squeeze3A_275, %add3A_289 : i32
        %get3A_291 = arith.index_cast %add3A_290 : i32 to index
        %get3A_292 = tpu.vector_load %arg6[%get3A_291] {strides = array<i32>} : memref<114688xf32, #tpu.memory_space<vmem>>, vector<16xf32>,
        %mul3A_293 = arith.mulf %mul3A_273, %get3A_292 : vector<16xf32>
        %slice3A_294 = vector.extract_strided_slice %get3A_55 {offsets = [12], sizes = [1], strides = [1]} : vector<16xi32> to vector<1xi32>
        %squeeze3A_295 = vector.extract %slice3A_294[0] : i32 from vector<1xi32>
        %get3A_296 = arith.index_cast %squeeze3A_295 : i32 to index
        %get3A_297 = tpu.vector_load %arg6[%get3A_296] {strides = array<i32>} : memref<114688xf32, #tpu.memory_space<vmem>>, vector<16xf32>,
        %mul3A_298 = arith.mulf %mul3A_278, %get3A_297 : vector<16xf32>
        %add3A_299 = arith.constant 16 : i32
        %add3A_300 = arith.addi %squeeze3A_295, %add3A_299 : i32
        %get3A_301 = arith.index_cast %add3A_300 : i32 to index
        %get3A_302 = tpu.vector_load %arg6[%get3A_301] {strides = array<i32>} : memref<114688xf32, #tpu.memory_space<vmem>>, vector<16xf32>,
        %mul3A_303 = arith.mulf %mul3A_283, %get3A_302 : vector<16xf32>
        %add3A_304 = arith.constant 32 : i32
        %add3A_305 = arith.addi %squeeze3A_295, %add3A_304 : i32
        %get3A_306 = arith.index_cast %add3A_305 : i32 to index
        %get3A_307 = tpu.vector_load %arg6[%get3A_306] {strides = array<i32>} : memref<114688xf32, #tpu.memory_space<vmem>>, vector<16xf32>,
        %mul3A_308 = arith.mulf %mul3A_288, %get3A_307 : vector<16xf32>
        %add3A_309 = arith.constant 48 : i32
        %add3A_310 = arith.addi %squeeze3A_295, %add3A_309 : i32
        %get3A_311 = arith.index_cast %add3A_310 : i32 to index
        %get3A_312 = tpu.vector_load %arg6[%get3A_311] {strides = array<i32>} : memref<114688xf32, #tpu.memory_space<vmem>>, vector<16xf32>,
        %mul3A_313 = arith.mulf %mul3A_293, %get3A_312 : vector<16xf32>
        %slice3A_314 = vector.extract_strided_slice %get3A_55 {offsets = [13], sizes = [1], strides = [1]} : vector<16xi32> to vector<1xi32>
        %squeeze3A_315 = vector.extract %slice3A_314[0] : i32 from vector<1xi32>
        %get3A_316 = arith.index_cast %squeeze3A_315 : i32 to index
        %get3A_317 = tpu.vector_load %arg6[%get3A_316] {strides = array<i32>} : memref<114688xf32, #tpu.memory_space<vmem>>, vector<16xf32>,
        %mul3A_318 = arith.mulf %mul3A_298, %get3A_317 : vector<16xf32>
        %add3A_319 = arith.constant 16 : i32
        %add3A_320 = arith.addi %squeeze3A_315, %add3A_319 : i32
        %get3A_321 = arith.index_cast %add3A_320 : i32 to index
        %get3A_322 = tpu.vector_load %arg6[%get3A_321] {strides = array<i32>} : memref<114688xf32, #tpu.memory_space<vmem>>, vector<16xf32>,
        %mul3A_323 = arith.mulf %mul3A_303, %get3A_322 : vector<16xf32>
        %add3A_324 = arith.constant 32 : i32
        %add3A_325 = arith.addi %squeeze3A_315, %add3A_324 : i32
        %get3A_326 = arith.index_cast %add3A_325 : i32 to index
        %get3A_327 = tpu.vector_load %arg6[%get3A_326] {strides = array<i32>} : memref<114688xf32, #tpu.memory_space<vmem>>, vector<16xf32>,
        %mul3A_328 = arith.mulf %mul3A_308, %get3A_327 : vector<16xf32>
        %add3A_329 = arith.constant 48 : i32
        %add3A_330 = arith.addi %squeeze3A_315, %add3A_329 : i32
        %get3A_331 = arith.index_cast %add3A_330 : i32 to index
        %get3A_332 = tpu.vector_load %arg6[%get3A_331] {strides = array<i32>} : memref<114688xf32, #tpu.memory_space<vmem>>, vector<16xf32>,
        %mul3A_333 = arith.mulf %mul3A_313, %get3A_332 : vector<16xf32>
        %slice3A_334 = vector.extract_strided_slice %get3A_55 {offsets = [14], sizes = [1], strides = [1]} : vector<16xi32> to vector<1xi32>
        %squeeze3A_335 = vector.extract %slice3A_334[0] : i32 from vector<1xi32>
        %get3A_336 = arith.index_cast %squeeze3A_335 : i32 to index
        %get3A_337 = tpu.vector_load %arg6[%get3A_336] {strides = array<i32>} : memref<114688xf32, #tpu.memory_space<vmem>>, vector<16xf32>,
        %mul3A_338 = arith.mulf %mul3A_318, %get3A_337 : vector<16xf32>
        %add3A_339 = arith.constant 16 : i32
        %add3A_340 = arith.addi %squeeze3A_335, %add3A_339 : i32
        %get3A_341 = arith.index_cast %add3A_340 : i32 to index
        %get3A_342 = tpu.vector_load %arg6[%get3A_341] {strides = array<i32>} : memref<114688xf32, #tpu.memory_space<vmem>>, vector<16xf32>,
        %mul3A_343 = arith.mulf %mul3A_323, %get3A_342 : vector<16xf32>
        %add3A_344 = arith.constant 32 : i32
        %add3A_345 = arith.addi %squeeze3A_335, %add3A_344 : i32
        %get3A_346 = arith.index_cast %add3A_345 : i32 to index
        %get3A_347 = tpu.vector_load %arg6[%get3A_346] {strides = array<i32>} : memref<114688xf32, #tpu.memory_space<vmem>>, vector<16xf32>,
        %mul3A_348 = arith.mulf %mul3A_328, %get3A_347 : vector<16xf32>
        %add3A_349 = arith.constant 48 : i32
        %add3A_350 = arith.addi %squeeze3A_335, %add3A_349 : i32
        %get3A_351 = arith.index_cast %add3A_350 : i32 to index
        %get3A_352 = tpu.vector_load %arg6[%get3A_351] {strides = array<i32>} : memref<114688xf32, #tpu.memory_space<vmem>>, vector<16xf32>,
        %mul3A_353 = arith.mulf %mul3A_333, %get3A_352 : vector<16xf32>
        %slice3A_354 = vector.extract_strided_slice %get3A_55 {offsets = [15], sizes = [1], strides = [1]} : vector<16xi32> to vector<1xi32>
        %squeeze3A_355 = vector.extract %slice3A_354[0] : i32 from vector<1xi32>
        %get3A_356 = arith.index_cast %squeeze3A_355 : i32 to index
        %get3A_357 = tpu.vector_load %arg6[%get3A_356] {strides = array<i32>} : memref<114688xf32, #tpu.memory_space<vmem>>, vector<16xf32>,
        %mul3A_358 = arith.mulf %mul3A_338, %get3A_357 : vector<16xf32>
        %add3A_359 = arith.constant 16 : i32
        %add3A_360 = arith.addi %squeeze3A_355, %add3A_359 : i32
        %get3A_361 = arith.index_cast %add3A_360 : i32 to index
        %get3A_362 = tpu.vector_load %arg6[%get3A_361] {strides = array<i32>} : memref<114688xf32, #tpu.memory_space<vmem>>, vector<16xf32>,
        %mul3A_363 = arith.mulf %mul3A_343, %get3A_362 : vector<16xf32>
        %add3A_364 = arith.constant 32 : i32
        %add3A_365 = arith.addi %squeeze3A_355, %add3A_364 : i32
        %get3A_366 = arith.index_cast %add3A_365 : i32 to index
        %get3A_367 = tpu.vector_load %arg6[%get3A_366] {strides = array<i32>} : memref<114688xf32, #tpu.memory_space<vmem>>, vector<16xf32>,
        %mul3A_368 = arith.mulf %mul3A_348, %get3A_367 : vector<16xf32>
        %add3A_369 = arith.constant 48 : i32
        %add3A_370 = arith.addi %squeeze3A_355, %add3A_369 : i32
        %get3A_371 = arith.index_cast %add3A_370 : i32 to index
        %get3A_372 = tpu.vector_load %arg6[%get3A_371] {strides = array<i32>} : memref<114688xf32, #tpu.memory_space<vmem>>, vector<16xf32>,
        %mul3A_373 = arith.mulf %mul3A_353, %get3A_372 : vector<16xf32>
        scf.yield %mul3A_358, %mul3A_363, %mul3A_368, %mul3A_373 : vector<16xf32>, vector<16xf32>, vector<16xf32>, vector<16xf32>
      }
      %scan3A_35 = arith.constant 9 : i32
      %add3A_36 = arith.addf %scan3A_34#0, %scan3A_34#1 : vector<16xf32>
      %add3A_37 = arith.addf %scan3A_34#2, %scan3A_34#3 : vector<16xf32>
      %add3A_38 = arith.addf %add3A_36, %add3A_37 : vector<16xf32>
      %reduce_sum3A = arith.constant true
      %reduce_sum3A_39 = vector.broadcast %reduce_sum3A : i1 to vector<16xi1>
      %reduce_sum3A_40 = tpu.scan <sum>, %add3A_38 masked %reduce_sum3A_39 : vector<16xf32>, vector<16xi1> -> vector<16xf32>
      %reduce_sum3A_41 = vector.extract %reduce_sum3A_40[15] : f32 from vector<16xf32>
      %eq3A_42 = vector.broadcast %scan3A_26 : i32 to vector<16xi32>
      %eq3A_43 = arith.cmpi eq, %iota3A, %eq3A_42 : vector<16xi32>
      %broadcast_in_dim3A_44 = vector.broadcast %reduce_sum3A_41 : f32 to vector<16xf32>
      %select_n3A = arith.select %eq3A_43, %broadcast_in_dim3A_44, %scan3A_27 : vector<16xi1>, vector<16xf32>
      scf.yield %select_n3A : vector<16xf32>
    }
    %scan3A_23 = arith.constant 16 : i32
    %swap3A_24 = arith.constant 16 : index
    %swap3A_25 = tpu.vector_load %arg7[%swap3A_24] {strides = array<i32>} : memref<32xf32, #tpu.memory_space<vmem>>, vector<16xf32>,
    tpu.vector_store %arg7[%swap3A_24], %scan3A_22 {strides = array<i32>} : memref<32xf32, #tpu.memory_space<vmem>>, vector<16xf32>,
    "tpu.region"() ({
      %run_scoped3A = tpu.sem_alloc : memref<!tpu.dma_semaphore, #tpu.memory_space<semaphore_mem>>
      %dma_start3A = tpu.memref_slice %arg4[%mul3A_2] : memref<1024xf32, #tpu.memory_space<hbm>> -> memref<32xf32, #tpu.memory_space<hbm>>
      %dma_start3A_26 = tpu.memref_slice %arg4[%mul3A_2] : memref<1024xf32, #tpu.memory_space<hbm>> -> memref<32xf32, #tpu.memory_space<hbm>>
      tpu.enqueue_dma source(%arg7 : memref<32xf32, #tpu.memory_space<vmem>>) target(%dma_start3A_26 : memref<32xf32, #tpu.memory_space<hbm>>) target_semaphore(%run_scoped3A : memref<!tpu.dma_semaphore, #tpu.memory_space<semaphore_mem>>)
      %dma_wait3A = tpu.memref_slice %arg4[%mul3A_2] : memref<1024xf32, #tpu.memory_space<hbm>> -> memref<32xf32, #tpu.memory_space<hbm>>
      %dma_wait3A_27 = tpu.memref_slice %arg4[%mul3A_2] : memref<1024xf32, #tpu.memory_space<hbm>> -> memref<32xf32, #tpu.memory_space<hbm>>
      tpu.wait_dma2 semaphore(%run_scoped3A : memref<!tpu.dma_semaphore, #tpu.memory_space<semaphore_mem>>) src(%arg7 : memref<32xf32, #tpu.memory_space<vmem>>) dst(%dma_wait3A_27 : memref<32xf32, #tpu.memory_space<hbm>>)
      tpu.yield
    }) : () -> ()
    return
  }
}

module attributes {stable_mosaic.version = 14 : i64} {
  func.func @_prep_body(%arg0: memref<1024x512xi32, #tpu.memory_space<vmem>>, %arg1: memref<2x64x512xf32, #tpu.memory_space<vmem>>, %arg2: memref<1792x64xf32, #tpu.memory_space<vmem>>, %arg3: memref<1024x144xi32, #tpu.memory_space<vmem>>) attributes {dimension_semantics = [], scalar_prefetch = 0 : i64, scratch_operands = 0 : i64, tpu.core_type = #tpu.core_type<tc>} {
    %get3A = arith.constant 0 : index
    %get3A_0 = arith.constant 0 : index
    %get3A_1 = arith.constant 0 : index
    %get3A_2 = vector.load %arg1[%get3A, %get3A_0, %get3A_1] : memref<2x64x512xf32, #tpu.memory_space<vmem>>, vector<1x64x512xf32>
    %get3A_3 = vector.shape_cast %get3A_2 : vector<1x64x512xf32> to vector<64x512xf32>
    %get3A_4 = arith.constant 1 : index
    %get3A_5 = arith.constant 0 : index
    %get3A_6 = arith.constant 0 : index
    %get3A_7 = vector.load %arg1[%get3A_4, %get3A_5, %get3A_6] : memref<2x64x512xf32, #tpu.memory_space<vmem>>, vector<1x64x512xf32>
    %get3A_8 = vector.shape_cast %get3A_7 : vector<1x64x512xf32> to vector<64x512xf32>
    %iota3A = tpu.iota {dimensions = array<i32: 0>} : vector<512x80xi32>
    %iota3A_9 = tpu.iota {dimensions = array<i32: 1>} : vector<512x80xi32>
    %mul3A = arith.constant 4 : i32
    %mul3A_10 = vector.broadcast %mul3A : i32 to vector<512x80xi32>
    %mul3A_11 = arith.muli %mul3A_10, %iota3A_9 : vector<512x80xi32>
    %add3A = arith.constant 0 : i32
    %add3A_12 = vector.broadcast %add3A : i32 to vector<512x80xi32>
    %add3A_13 = arith.addi %mul3A_11, %add3A_12 : vector<512x80xi32>
    %eq3A = arith.cmpi eq, %iota3A, %add3A_13 : vector<512x80xi32>
    %convert_element_type3A = arith.extui %eq3A : vector<512x80xi1> to vector<512x80xi32>
    %convert_element_type3A_14 = arith.sitofp %convert_element_type3A : vector<512x80xi32> to vector<512x80xf32>
    %mul3A_15 = arith.constant 4 : i32
    %mul3A_16 = vector.broadcast %mul3A_15 : i32 to vector<512x80xi32>
    %mul3A_17 = arith.muli %mul3A_16, %iota3A_9 : vector<512x80xi32>
    %add3A_18 = arith.constant 1 : i32
    %add3A_19 = vector.broadcast %add3A_18 : i32 to vector<512x80xi32>
    %add3A_20 = arith.addi %mul3A_17, %add3A_19 : vector<512x80xi32>
    %eq3A_21 = arith.cmpi eq, %iota3A, %add3A_20 : vector<512x80xi32>
    %convert_element_type3A_22 = arith.extui %eq3A_21 : vector<512x80xi1> to vector<512x80xi32>
    %convert_element_type3A_23 = arith.sitofp %convert_element_type3A_22 : vector<512x80xi32> to vector<512x80xf32>
    %mul3A_24 = arith.constant 4 : i32
    %mul3A_25 = vector.broadcast %mul3A_24 : i32 to vector<512x80xi32>
    %mul3A_26 = arith.muli %mul3A_25, %iota3A_9 : vector<512x80xi32>
    %add3A_27 = arith.constant 2 : i32
    %add3A_28 = vector.broadcast %add3A_27 : i32 to vector<512x80xi32>
    %add3A_29 = arith.addi %mul3A_26, %add3A_28 : vector<512x80xi32>
    %eq3A_30 = arith.cmpi eq, %iota3A, %add3A_29 : vector<512x80xi32>
    %convert_element_type3A_31 = arith.extui %eq3A_30 : vector<512x80xi1> to vector<512x80xi32>
    %convert_element_type3A_32 = arith.sitofp %convert_element_type3A_31 : vector<512x80xi32> to vector<512x80xf32>
    %mul3A_33 = arith.constant 4 : i32
    %mul3A_34 = vector.broadcast %mul3A_33 : i32 to vector<512x80xi32>
    %mul3A_35 = arith.muli %mul3A_34, %iota3A_9 : vector<512x80xi32>
    %add3A_36 = arith.constant 3 : i32
    %add3A_37 = vector.broadcast %add3A_36 : i32 to vector<512x80xi32>
    %add3A_38 = arith.addi %mul3A_35, %add3A_37 : vector<512x80xi32>
    %eq3A_39 = arith.cmpi eq, %iota3A, %add3A_38 : vector<512x80xi32>
    %convert_element_type3A_40 = arith.extui %eq3A_39 : vector<512x80xi1> to vector<512x80xi32>
    %convert_element_type3A_41 = arith.sitofp %convert_element_type3A_40 : vector<512x80xi32> to vector<512x80xf32>
    %dot_general3A = arith.constant dense<0.000000e+00> : vector<80x64xf32>
    %dot_general3A_42 = tpu.matmul %convert_element_type3A_14, %get3A_3, %dot_general3A {dimension_numbers = #tpu.dot_dimension_numbers<[0], [1], [1], [0], [0, 1, 1, 0], [], []>, precision = #tpu.contract_precision<fp32>, transpose_lhs_hint = false} : vector<512x80xf32>, vector<64x512xf32>, vector<80x64xf32> -> vector<80x64xf32>
    %dot_general3A_43 = arith.constant dense<0.000000e+00> : vector<80x64xf32>
    %dot_general3A_44 = tpu.matmul %convert_element_type3A_14, %get3A_8, %dot_general3A_43 {dimension_numbers = #tpu.dot_dimension_numbers<[0], [1], [1], [0], [0, 1, 1, 0], [], []>, precision = #tpu.contract_precision<fp32>, transpose_lhs_hint = false} : vector<512x80xf32>, vector<64x512xf32>, vector<80x64xf32> -> vector<80x64xf32>
    %dot_general3A_45 = arith.constant dense<0.000000e+00> : vector<80x64xf32>
    %dot_general3A_46 = tpu.matmul %convert_element_type3A_23, %get3A_3, %dot_general3A_45 {dimension_numbers = #tpu.dot_dimension_numbers<[0], [1], [1], [0], [0, 1, 1, 0], [], []>, precision = #tpu.contract_precision<fp32>, transpose_lhs_hint = false} : vector<512x80xf32>, vector<64x512xf32>, vector<80x64xf32> -> vector<80x64xf32>
    %dot_general3A_47 = arith.constant dense<0.000000e+00> : vector<80x64xf32>
    %dot_general3A_48 = tpu.matmul %convert_element_type3A_23, %get3A_8, %dot_general3A_47 {dimension_numbers = #tpu.dot_dimension_numbers<[0], [1], [1], [0], [0, 1, 1, 0], [], []>, precision = #tpu.contract_precision<fp32>, transpose_lhs_hint = false} : vector<512x80xf32>, vector<64x512xf32>, vector<80x64xf32> -> vector<80x64xf32>
    %dot_general3A_49 = arith.constant dense<0.000000e+00> : vector<80x64xf32>
    %dot_general3A_50 = tpu.matmul %convert_element_type3A_32, %get3A_3, %dot_general3A_49 {dimension_numbers = #tpu.dot_dimension_numbers<[0], [1], [1], [0], [0, 1, 1, 0], [], []>, precision = #tpu.contract_precision<fp32>, transpose_lhs_hint = false} : vector<512x80xf32>, vector<64x512xf32>, vector<80x64xf32> -> vector<80x64xf32>
    %dot_general3A_51 = arith.constant dense<0.000000e+00> : vector<80x64xf32>
    %dot_general3A_52 = tpu.matmul %convert_element_type3A_32, %get3A_8, %dot_general3A_51 {dimension_numbers = #tpu.dot_dimension_numbers<[0], [1], [1], [0], [0, 1, 1, 0], [], []>, precision = #tpu.contract_precision<fp32>, transpose_lhs_hint = false} : vector<512x80xf32>, vector<64x512xf32>, vector<80x64xf32> -> vector<80x64xf32>
    %dot_general3A_53 = arith.constant dense<0.000000e+00> : vector<80x64xf32>
    %dot_general3A_54 = tpu.matmul %convert_element_type3A_41, %get3A_3, %dot_general3A_53 {dimension_numbers = #tpu.dot_dimension_numbers<[0], [1], [1], [0], [0, 1, 1, 0], [], []>, precision = #tpu.contract_precision<fp32>, transpose_lhs_hint = false} : vector<512x80xf32>, vector<64x512xf32>, vector<80x64xf32> -> vector<80x64xf32>
    %dot_general3A_55 = arith.constant dense<0.000000e+00> : vector<80x64xf32>
    %dot_general3A_56 = tpu.matmul %convert_element_type3A_41, %get3A_8, %dot_general3A_55 {dimension_numbers = #tpu.dot_dimension_numbers<[0], [1], [1], [0], [0, 1, 1, 0], [], []>, precision = #tpu.contract_precision<fp32>, transpose_lhs_hint = false} : vector<512x80xf32>, vector<64x512xf32>, vector<80x64xf32> -> vector<80x64xf32>
    %mul3A_57 = arith.mulf %dot_general3A_42, %dot_general3A_46 : vector<80x64xf32>
    %mul3A_58 = arith.mulf %mul3A_57, %dot_general3A_50 : vector<80x64xf32>
    %mul3A_59 = arith.mulf %mul3A_58, %dot_general3A_54 : vector<80x64xf32>
    %swap3A = arith.constant 0 : index
    %swap3A_60 = arith.constant 0 : index
    %swap3A_61 = vector.load %arg2[%swap3A, %swap3A_60] : memref<1792x64xf32, #tpu.memory_space<vmem>>, vector<80x64xf32>
    tpu.vector_store %arg2[%swap3A, %swap3A_60], %mul3A_59 {strides = array<i32>} : memref<1792x64xf32, #tpu.memory_space<vmem>>, vector<80x64xf32>,
    %mul3A_62 = arith.mulf %dot_general3A_42, %dot_general3A_46 : vector<80x64xf32>
    %mul3A_63 = arith.mulf %mul3A_62, %dot_general3A_50 : vector<80x64xf32>
    %mul3A_64 = arith.mulf %mul3A_63, %dot_general3A_56 : vector<80x64xf32>
    %swap3A_65 = arith.constant 80 : index
    %swap3A_66 = arith.constant 0 : index
    %swap3A_67 = vector.load %arg2[%swap3A_65, %swap3A_66] : memref<1792x64xf32, #tpu.memory_space<vmem>>, vector<80x64xf32>
    tpu.vector_store %arg2[%swap3A_65, %swap3A_66], %mul3A_64 {strides = array<i32>} : memref<1792x64xf32, #tpu.memory_space<vmem>>, vector<80x64xf32>,
    %mul3A_68 = arith.mulf %dot_general3A_42, %dot_general3A_46 : vector<80x64xf32>
    %mul3A_69 = arith.mulf %mul3A_68, %dot_general3A_52 : vector<80x64xf32>
    %mul3A_70 = arith.mulf %mul3A_69, %dot_general3A_54 : vector<80x64xf32>
    %swap3A_71 = arith.constant 160 : index
    %swap3A_72 = arith.constant 0 : index
    %swap3A_73 = vector.load %arg2[%swap3A_71, %swap3A_72] : memref<1792x64xf32, #tpu.memory_space<vmem>>, vector<80x64xf32>
    tpu.vector_store %arg2[%swap3A_71, %swap3A_72], %mul3A_70 {strides = array<i32>} : memref<1792x64xf32, #tpu.memory_space<vmem>>, vector<80x64xf32>,
    %mul3A_74 = arith.mulf %dot_general3A_42, %dot_general3A_46 : vector<80x64xf32>
    %mul3A_75 = arith.mulf %mul3A_74, %dot_general3A_52 : vector<80x64xf32>
    %mul3A_76 = arith.mulf %mul3A_75, %dot_general3A_56 : vector<80x64xf32>
    %swap3A_77 = arith.constant 240 : index
    %swap3A_78 = arith.constant 0 : index
    %swap3A_79 = vector.load %arg2[%swap3A_77, %swap3A_78] : memref<1792x64xf32, #tpu.memory_space<vmem>>, vector<80x64xf32>
    tpu.vector_store %arg2[%swap3A_77, %swap3A_78], %mul3A_76 {strides = array<i32>} : memref<1792x64xf32, #tpu.memory_space<vmem>>, vector<80x64xf32>,
    %mul3A_80 = arith.mulf %dot_general3A_42, %dot_general3A_48 : vector<80x64xf32>
    %mul3A_81 = arith.mulf %mul3A_80, %dot_general3A_50 : vector<80x64xf32>
    %mul3A_82 = arith.mulf %mul3A_81, %dot_general3A_54 : vector<80x64xf32>
    %swap3A_83 = arith.constant 320 : index
    %swap3A_84 = arith.constant 0 : index
    %swap3A_85 = vector.load %arg2[%swap3A_83, %swap3A_84] : memref<1792x64xf32, #tpu.memory_space<vmem>>, vector<80x64xf32>
    tpu.vector_store %arg2[%swap3A_83, %swap3A_84], %mul3A_82 {strides = array<i32>} : memref<1792x64xf32, #tpu.memory_space<vmem>>, vector<80x64xf32>,
    %mul3A_86 = arith.mulf %dot_general3A_42, %dot_general3A_48 : vector<80x64xf32>
    %mul3A_87 = arith.mulf %mul3A_86, %dot_general3A_50 : vector<80x64xf32>
    %mul3A_88 = arith.mulf %mul3A_87, %dot_general3A_56 : vector<80x64xf32>
    %swap3A_89 = arith.constant 400 : index
    %swap3A_90 = arith.constant 0 : index
    %swap3A_91 = vector.load %arg2[%swap3A_89, %swap3A_90] : memref<1792x64xf32, #tpu.memory_space<vmem>>, vector<80x64xf32>
    tpu.vector_store %arg2[%swap3A_89, %swap3A_90], %mul3A_88 {strides = array<i32>} : memref<1792x64xf32, #tpu.memory_space<vmem>>, vector<80x64xf32>,
    %mul3A_92 = arith.mulf %dot_general3A_42, %dot_general3A_48 : vector<80x64xf32>
    %mul3A_93 = arith.mulf %mul3A_92, %dot_general3A_52 : vector<80x64xf32>
    %mul3A_94 = arith.mulf %mul3A_93, %dot_general3A_54 : vector<80x64xf32>
    %swap3A_95 = arith.constant 480 : index
    %swap3A_96 = arith.constant 0 : index
    %swap3A_97 = vector.load %arg2[%swap3A_95, %swap3A_96] : memref<1792x64xf32, #tpu.memory_space<vmem>>, vector<80x64xf32>
    tpu.vector_store %arg2[%swap3A_95, %swap3A_96], %mul3A_94 {strides = array<i32>} : memref<1792x64xf32, #tpu.memory_space<vmem>>, vector<80x64xf32>,
    %mul3A_98 = arith.mulf %dot_general3A_42, %dot_general3A_48 : vector<80x64xf32>
    %mul3A_99 = arith.mulf %mul3A_98, %dot_general3A_52 : vector<80x64xf32>
    %mul3A_100 = arith.mulf %mul3A_99, %dot_general3A_56 : vector<80x64xf32>
    %swap3A_101 = arith.constant 560 : index
    %swap3A_102 = arith.constant 0 : index
    %swap3A_103 = vector.load %arg2[%swap3A_101, %swap3A_102] : memref<1792x64xf32, #tpu.memory_space<vmem>>, vector<80x64xf32>
    tpu.vector_store %arg2[%swap3A_101, %swap3A_102], %mul3A_100 {strides = array<i32>} : memref<1792x64xf32, #tpu.memory_space<vmem>>, vector<80x64xf32>,
    %mul3A_104 = arith.mulf %dot_general3A_44, %dot_general3A_46 : vector<80x64xf32>
    %mul3A_105 = arith.mulf %mul3A_104, %dot_general3A_50 : vector<80x64xf32>
    %mul3A_106 = arith.mulf %mul3A_105, %dot_general3A_54 : vector<80x64xf32>
    %swap3A_107 = arith.constant 640 : index
    %swap3A_108 = arith.constant 0 : index
    %swap3A_109 = vector.load %arg2[%swap3A_107, %swap3A_108] : memref<1792x64xf32, #tpu.memory_space<vmem>>, vector<80x64xf32>
    tpu.vector_store %arg2[%swap3A_107, %swap3A_108], %mul3A_106 {strides = array<i32>} : memref<1792x64xf32, #tpu.memory_space<vmem>>, vector<80x64xf32>,
    %mul3A_110 = arith.mulf %dot_general3A_44, %dot_general3A_46 : vector<80x64xf32>
    %mul3A_111 = arith.mulf %mul3A_110, %dot_general3A_50 : vector<80x64xf32>
    %mul3A_112 = arith.mulf %mul3A_111, %dot_general3A_56 : vector<80x64xf32>
    %swap3A_113 = arith.constant 720 : index
    %swap3A_114 = arith.constant 0 : index
    %swap3A_115 = vector.load %arg2[%swap3A_113, %swap3A_114] : memref<1792x64xf32, #tpu.memory_space<vmem>>, vector<80x64xf32>
    tpu.vector_store %arg2[%swap3A_113, %swap3A_114], %mul3A_112 {strides = array<i32>} : memref<1792x64xf32, #tpu.memory_space<vmem>>, vector<80x64xf32>,
    %mul3A_116 = arith.mulf %dot_general3A_44, %dot_general3A_46 : vector<80x64xf32>
    %mul3A_117 = arith.mulf %mul3A_116, %dot_general3A_52 : vector<80x64xf32>
    %mul3A_118 = arith.mulf %mul3A_117, %dot_general3A_54 : vector<80x64xf32>
    %swap3A_119 = arith.constant 800 : index
    %swap3A_120 = arith.constant 0 : index
    %swap3A_121 = vector.load %arg2[%swap3A_119, %swap3A_120] : memref<1792x64xf32, #tpu.memory_space<vmem>>, vector<80x64xf32>
    tpu.vector_store %arg2[%swap3A_119, %swap3A_120], %mul3A_118 {strides = array<i32>} : memref<1792x64xf32, #tpu.memory_space<vmem>>, vector<80x64xf32>,
    %mul3A_122 = arith.mulf %dot_general3A_44, %dot_general3A_46 : vector<80x64xf32>
    %mul3A_123 = arith.mulf %mul3A_122, %dot_general3A_52 : vector<80x64xf32>
    %mul3A_124 = arith.mulf %mul3A_123, %dot_general3A_56 : vector<80x64xf32>
    %swap3A_125 = arith.constant 880 : index
    %swap3A_126 = arith.constant 0 : index
    %swap3A_127 = vector.load %arg2[%swap3A_125, %swap3A_126] : memref<1792x64xf32, #tpu.memory_space<vmem>>, vector<80x64xf32>
    tpu.vector_store %arg2[%swap3A_125, %swap3A_126], %mul3A_124 {strides = array<i32>} : memref<1792x64xf32, #tpu.memory_space<vmem>>, vector<80x64xf32>,
    %mul3A_128 = arith.mulf %dot_general3A_44, %dot_general3A_48 : vector<80x64xf32>
    %mul3A_129 = arith.mulf %mul3A_128, %dot_general3A_50 : vector<80x64xf32>
    %mul3A_130 = arith.mulf %mul3A_129, %dot_general3A_54 : vector<80x64xf32>
    %swap3A_131 = arith.constant 960 : index
    %swap3A_132 = arith.constant 0 : index
    %swap3A_133 = vector.load %arg2[%swap3A_131, %swap3A_132] : memref<1792x64xf32, #tpu.memory_space<vmem>>, vector<80x64xf32>
    tpu.vector_store %arg2[%swap3A_131, %swap3A_132], %mul3A_130 {strides = array<i32>} : memref<1792x64xf32, #tpu.memory_space<vmem>>, vector<80x64xf32>,
    %mul3A_134 = arith.mulf %dot_general3A_44, %dot_general3A_48 : vector<80x64xf32>
    %mul3A_135 = arith.mulf %mul3A_134, %dot_general3A_50 : vector<80x64xf32>
    %mul3A_136 = arith.mulf %mul3A_135, %dot_general3A_56 : vector<80x64xf32>
    %swap3A_137 = arith.constant 1040 : index
    %swap3A_138 = arith.constant 0 : index
    %swap3A_139 = vector.load %arg2[%swap3A_137, %swap3A_138] : memref<1792x64xf32, #tpu.memory_space<vmem>>, vector<80x64xf32>
    tpu.vector_store %arg2[%swap3A_137, %swap3A_138], %mul3A_136 {strides = array<i32>} : memref<1792x64xf32, #tpu.memory_space<vmem>>, vector<80x64xf32>,
    %mul3A_140 = arith.mulf %dot_general3A_44, %dot_general3A_48 : vector<80x64xf32>
    %mul3A_141 = arith.mulf %mul3A_140, %dot_general3A_52 : vector<80x64xf32>
    %mul3A_142 = arith.mulf %mul3A_141, %dot_general3A_54 : vector<80x64xf32>
    %swap3A_143 = arith.constant 1120 : index
    %swap3A_144 = arith.constant 0 : index
    %swap3A_145 = vector.load %arg2[%swap3A_143, %swap3A_144] : memref<1792x64xf32, #tpu.memory_space<vmem>>, vector<80x64xf32>
    tpu.vector_store %arg2[%swap3A_143, %swap3A_144], %mul3A_142 {strides = array<i32>} : memref<1792x64xf32, #tpu.memory_space<vmem>>, vector<80x64xf32>,
    %mul3A_146 = arith.mulf %dot_general3A_44, %dot_general3A_48 : vector<80x64xf32>
    %mul3A_147 = arith.mulf %mul3A_146, %dot_general3A_52 : vector<80x64xf32>
    %mul3A_148 = arith.mulf %mul3A_147, %dot_general3A_56 : vector<80x64xf32>
    %swap3A_149 = arith.constant 1200 : index
    %swap3A_150 = arith.constant 0 : index
    %swap3A_151 = vector.load %arg2[%swap3A_149, %swap3A_150] : memref<1792x64xf32, #tpu.memory_space<vmem>>, vector<80x64xf32>
    tpu.vector_store %arg2[%swap3A_149, %swap3A_150], %mul3A_148 {strides = array<i32>} : memref<1792x64xf32, #tpu.memory_space<vmem>>, vector<80x64xf32>,
    %iota3A_152 = tpu.iota {dimensions = array<i32: 0>} : vector<512x64xi32>
    %iota3A_153 = tpu.iota {dimensions = array<i32: 1>} : vector<512x64xi32>
    %mul3A_154 = arith.constant 3 : i32
    %mul3A_155 = vector.broadcast %mul3A_154 : i32 to vector<512x64xi32>
    %mul3A_156 = arith.muli %mul3A_155, %iota3A_153 : vector<512x64xi32>
    %add3A_157 = arith.constant 320 : i32
    %add3A_158 = vector.broadcast %add3A_157 : i32 to vector<512x64xi32>
    %add3A_159 = arith.addi %add3A_158, %mul3A_156 : vector<512x64xi32>
    %add3A_160 = arith.constant 0 : i32
    %add3A_161 = vector.broadcast %add3A_160 : i32 to vector<512x64xi32>
    %add3A_162 = arith.addi %add3A_159, %add3A_161 : vector<512x64xi32>
    %eq3A_163 = arith.cmpi eq, %iota3A_152, %add3A_162 : vector<512x64xi32>
    %convert_element_type3A_164 = arith.extui %eq3A_163 : vector<512x64xi1> to vector<512x64xi32>
    %convert_element_type3A_165 = arith.sitofp %convert_element_type3A_164 : vector<512x64xi32> to vector<512x64xf32>
    %mul3A_166 = arith.constant 3 : i32
    %mul3A_167 = vector.broadcast %mul3A_166 : i32 to vector<512x64xi32>
    %mul3A_168 = arith.muli %mul3A_167, %iota3A_153 : vector<512x64xi32>
    %add3A_169 = arith.constant 320 : i32
    %add3A_170 = vector.broadcast %add3A_169 : i32 to vector<512x64xi32>
    %add3A_171 = arith.addi %add3A_170, %mul3A_168 : vector<512x64xi32>
    %add3A_172 = arith.constant 1 : i32
    %add3A_173 = vector.broadcast %add3A_172 : i32 to vector<512x64xi32>
    %add3A_174 = arith.addi %add3A_171, %add3A_173 : vector<512x64xi32>
    %eq3A_175 = arith.cmpi eq, %iota3A_152, %add3A_174 : vector<512x64xi32>
    %convert_element_type3A_176 = arith.extui %eq3A_175 : vector<512x64xi1> to vector<512x64xi32>
    %convert_element_type3A_177 = arith.sitofp %convert_element_type3A_176 : vector<512x64xi32> to vector<512x64xf32>
    %mul3A_178 = arith.constant 3 : i32
    %mul3A_179 = vector.broadcast %mul3A_178 : i32 to vector<512x64xi32>
    %mul3A_180 = arith.muli %mul3A_179, %iota3A_153 : vector<512x64xi32>
    %add3A_181 = arith.constant 320 : i32
    %add3A_182 = vector.broadcast %add3A_181 : i32 to vector<512x64xi32>
    %add3A_183 = arith.addi %add3A_182, %mul3A_180 : vector<512x64xi32>
    %add3A_184 = arith.constant 2 : i32
    %add3A_185 = vector.broadcast %add3A_184 : i32 to vector<512x64xi32>
    %add3A_186 = arith.addi %add3A_183, %add3A_185 : vector<512x64xi32>
    %eq3A_187 = arith.cmpi eq, %iota3A_152, %add3A_186 : vector<512x64xi32>
    %convert_element_type3A_188 = arith.extui %eq3A_187 : vector<512x64xi1> to vector<512x64xi32>
    %convert_element_type3A_189 = arith.sitofp %convert_element_type3A_188 : vector<512x64xi32> to vector<512x64xf32>
    %dot_general3A_190 = arith.constant dense<0.000000e+00> : vector<64x64xf32>
    %dot_general3A_191 = tpu.matmul %convert_element_type3A_165, %get3A_3, %dot_general3A_190 {dimension_numbers = #tpu.dot_dimension_numbers<[0], [1], [1], [0], [0, 1, 1, 0], [], []>, precision = #tpu.contract_precision<fp32>, transpose_lhs_hint = false} : vector<512x64xf32>, vector<64x512xf32>, vector<64x64xf32> -> vector<64x64xf32>
    %dot_general3A_192 = arith.constant dense<0.000000e+00> : vector<64x64xf32>
    %dot_general3A_193 = tpu.matmul %convert_element_type3A_165, %get3A_8, %dot_general3A_192 {dimension_numbers = #tpu.dot_dimension_numbers<[0], [1], [1], [0], [0, 1, 1, 0], [], []>, precision = #tpu.contract_precision<fp32>, transpose_lhs_hint = false} : vector<512x64xf32>, vector<64x512xf32>, vector<64x64xf32> -> vector<64x64xf32>
    %dot_general3A_194 = arith.constant dense<0.000000e+00> : vector<64x64xf32>
    %dot_general3A_195 = tpu.matmul %convert_element_type3A_177, %get3A_3, %dot_general3A_194 {dimension_numbers = #tpu.dot_dimension_numbers<[0], [1], [1], [0], [0, 1, 1, 0], [], []>, precision = #tpu.contract_precision<fp32>, transpose_lhs_hint = false} : vector<512x64xf32>, vector<64x512xf32>, vector<64x64xf32> -> vector<64x64xf32>
    %dot_general3A_196 = arith.constant dense<0.000000e+00> : vector<64x64xf32>
    %dot_general3A_197 = tpu.matmul %convert_element_type3A_177, %get3A_8, %dot_general3A_196 {dimension_numbers = #tpu.dot_dimension_numbers<[0], [1], [1], [0], [0, 1, 1, 0], [], []>, precision = #tpu.contract_precision<fp32>, transpose_lhs_hint = false} : vector<512x64xf32>, vector<64x512xf32>, vector<64x64xf32> -> vector<64x64xf32>
    %dot_general3A_198 = arith.constant dense<0.000000e+00> : vector<64x64xf32>
    %dot_general3A_199 = tpu.matmul %convert_element_type3A_189, %get3A_3, %dot_general3A_198 {dimension_numbers = #tpu.dot_dimension_numbers<[0], [1], [1], [0], [0, 1, 1, 0], [], []>, precision = #tpu.contract_precision<fp32>, transpose_lhs_hint = false} : vector<512x64xf32>, vector<64x512xf32>, vector<64x64xf32> -> vector<64x64xf32>
    %dot_general3A_200 = arith.constant dense<0.000000e+00> : vector<64x64xf32>
    %dot_general3A_201 = tpu.matmul %convert_element_type3A_189, %get3A_8, %dot_general3A_200 {dimension_numbers = #tpu.dot_dimension_numbers<[0], [1], [1], [0], [0, 1, 1, 0], [], []>, precision = #tpu.contract_precision<fp32>, transpose_lhs_hint = false} : vector<512x64xf32>, vector<64x512xf32>, vector<64x64xf32> -> vector<64x64xf32>
    %mul3A_202 = arith.mulf %dot_general3A_191, %dot_general3A_195 : vector<64x64xf32>
    %mul3A_203 = arith.mulf %mul3A_202, %dot_general3A_199 : vector<64x64xf32>
    %swap3A_204 = arith.constant 1280 : index
    %swap3A_205 = arith.constant 0 : index
    %swap3A_206 = vector.load %arg2[%swap3A_204, %swap3A_205] : memref<1792x64xf32, #tpu.memory_space<vmem>>, vector<64x64xf32>
    tpu.vector_store %arg2[%swap3A_204, %swap3A_205], %mul3A_203 {strides = array<i32>} : memref<1792x64xf32, #tpu.memory_space<vmem>>, vector<64x64xf32>,
    %mul3A_207 = arith.mulf %dot_general3A_191, %dot_general3A_195 : vector<64x64xf32>
    %mul3A_208 = arith.mulf %mul3A_207, %dot_general3A_201 : vector<64x64xf32>
    %swap3A_209 = arith.constant 1344 : index
    %swap3A_210 = arith.constant 0 : index
    %swap3A_211 = vector.load %arg2[%swap3A_209, %swap3A_210] : memref<1792x64xf32, #tpu.memory_space<vmem>>, vector<64x64xf32>
    tpu.vector_store %arg2[%swap3A_209, %swap3A_210], %mul3A_208 {strides = array<i32>} : memref<1792x64xf32, #tpu.memory_space<vmem>>, vector<64x64xf32>,
    %mul3A_212 = arith.mulf %dot_general3A_191, %dot_general3A_197 : vector<64x64xf32>
    %mul3A_213 = arith.mulf %mul3A_212, %dot_general3A_199 : vector<64x64xf32>
    %swap3A_214 = arith.constant 1408 : index
    %swap3A_215 = arith.constant 0 : index
    %swap3A_216 = vector.load %arg2[%swap3A_214, %swap3A_215] : memref<1792x64xf32, #tpu.memory_space<vmem>>, vector<64x64xf32>
    tpu.vector_store %arg2[%swap3A_214, %swap3A_215], %mul3A_213 {strides = array<i32>} : memref<1792x64xf32, #tpu.memory_space<vmem>>, vector<64x64xf32>,
    %mul3A_217 = arith.mulf %dot_general3A_191, %dot_general3A_197 : vector<64x64xf32>
    %mul3A_218 = arith.mulf %mul3A_217, %dot_general3A_201 : vector<64x64xf32>
    %swap3A_219 = arith.constant 1472 : index
    %swap3A_220 = arith.constant 0 : index
    %swap3A_221 = vector.load %arg2[%swap3A_219, %swap3A_220] : memref<1792x64xf32, #tpu.memory_space<vmem>>, vector<64x64xf32>
    tpu.vector_store %arg2[%swap3A_219, %swap3A_220], %mul3A_218 {strides = array<i32>} : memref<1792x64xf32, #tpu.memory_space<vmem>>, vector<64x64xf32>,
    %mul3A_222 = arith.mulf %dot_general3A_193, %dot_general3A_195 : vector<64x64xf32>
    %mul3A_223 = arith.mulf %mul3A_222, %dot_general3A_199 : vector<64x64xf32>
    %swap3A_224 = arith.constant 1536 : index
    %swap3A_225 = arith.constant 0 : index
    %swap3A_226 = vector.load %arg2[%swap3A_224, %swap3A_225] : memref<1792x64xf32, #tpu.memory_space<vmem>>, vector<64x64xf32>
    tpu.vector_store %arg2[%swap3A_224, %swap3A_225], %mul3A_223 {strides = array<i32>} : memref<1792x64xf32, #tpu.memory_space<vmem>>, vector<64x64xf32>,
    %mul3A_227 = arith.mulf %dot_general3A_193, %dot_general3A_195 : vector<64x64xf32>
    %mul3A_228 = arith.mulf %mul3A_227, %dot_general3A_201 : vector<64x64xf32>
    %swap3A_229 = arith.constant 1600 : index
    %swap3A_230 = arith.constant 0 : index
    %swap3A_231 = vector.load %arg2[%swap3A_229, %swap3A_230] : memref<1792x64xf32, #tpu.memory_space<vmem>>, vector<64x64xf32>
    tpu.vector_store %arg2[%swap3A_229, %swap3A_230], %mul3A_228 {strides = array<i32>} : memref<1792x64xf32, #tpu.memory_space<vmem>>, vector<64x64xf32>,
    %mul3A_232 = arith.mulf %dot_general3A_193, %dot_general3A_197 : vector<64x64xf32>
    %mul3A_233 = arith.mulf %mul3A_232, %dot_general3A_199 : vector<64x64xf32>
    %swap3A_234 = arith.constant 1664 : index
    %swap3A_235 = arith.constant 0 : index
    %swap3A_236 = vector.load %arg2[%swap3A_234, %swap3A_235] : memref<1792x64xf32, #tpu.memory_space<vmem>>, vector<64x64xf32>
    tpu.vector_store %arg2[%swap3A_234, %swap3A_235], %mul3A_233 {strides = array<i32>} : memref<1792x64xf32, #tpu.memory_space<vmem>>, vector<64x64xf32>,
    %mul3A_237 = arith.mulf %dot_general3A_193, %dot_general3A_197 : vector<64x64xf32>
    %mul3A_238 = arith.mulf %mul3A_237, %dot_general3A_201 : vector<64x64xf32>
    %swap3A_239 = arith.constant 1728 : index
    %swap3A_240 = arith.constant 0 : index
    %swap3A_241 = vector.load %arg2[%swap3A_239, %swap3A_240] : memref<1792x64xf32, #tpu.memory_space<vmem>>, vector<64x64xf32>
    tpu.vector_store %arg2[%swap3A_239, %swap3A_240], %mul3A_238 {strides = array<i32>} : memref<1792x64xf32, #tpu.memory_space<vmem>>, vector<64x64xf32>,
    %mul3A_242 = arith.constant 8.000000e+00 : f32
    %mul3A_243 = vector.broadcast %mul3A_242 : f32 to vector<512x80xf32>
    %mul3A_244 = arith.mulf %convert_element_type3A_14, %mul3A_243 : vector<512x80xf32>
    %mul3A_245 = arith.constant 4.000000e+00 : f32
    %mul3A_246 = vector.broadcast %mul3A_245 : f32 to vector<512x80xf32>
    %mul3A_247 = arith.mulf %convert_element_type3A_23, %mul3A_246 : vector<512x80xf32>
    %add3A_248 = arith.addf %mul3A_244, %mul3A_247 : vector<512x80xf32>
    %mul3A_249 = arith.constant 2.000000e+00 : f32
    %mul3A_250 = vector.broadcast %mul3A_249 : f32 to vector<512x80xf32>
    %mul3A_251 = arith.mulf %convert_element_type3A_32, %mul3A_250 : vector<512x80xf32>
    %add3A_252 = arith.addf %add3A_248, %mul3A_251 : vector<512x80xf32>
    %add3A_253 = arith.addf %add3A_252, %convert_element_type3A_41 : vector<512x80xf32>
    %mul3A_254 = arith.constant 5.120000e+03 : f32
    %mul3A_255 = vector.broadcast %mul3A_254 : f32 to vector<512x80xf32>
    %mul3A_256 = arith.mulf %add3A_253, %mul3A_255 : vector<512x80xf32>
    %mul3A_257 = arith.constant 4.000000e+00 : f32
    %mul3A_258 = vector.broadcast %mul3A_257 : f32 to vector<512x64xf32>
    %mul3A_259 = arith.mulf %convert_element_type3A_165, %mul3A_258 : vector<512x64xf32>
    %mul3A_260 = arith.constant 2.000000e+00 : f32
    %mul3A_261 = vector.broadcast %mul3A_260 : f32 to vector<512x64xf32>
    %mul3A_262 = arith.mulf %convert_element_type3A_177, %mul3A_261 : vector<512x64xf32>
    %add3A_263 = arith.addf %mul3A_259, %mul3A_262 : vector<512x64xf32>
    %add3A_264 = arith.addf %add3A_263, %convert_element_type3A_189 : vector<512x64xf32>
    %mul3A_265 = arith.constant 4.096000e+03 : f32
    %mul3A_266 = vector.broadcast %mul3A_265 : f32 to vector<512x64xf32>
    %mul3A_267 = arith.mulf %add3A_264, %mul3A_266 : vector<512x64xf32>
    %concatenate3A = tpu.concatenate %mul3A_256, %mul3A_267 in 1 : vector<512x80xf32>, vector<512x64xf32> -> vector<512x144xf32>
    %get3A_268 = arith.constant 0 : index
    %get3A_269 = arith.constant 0 : index
    %get3A_270 = vector.load %arg0[%get3A_268, %get3A_269] : memref<1024x512xi32, #tpu.memory_space<vmem>>, vector<1024x512xi32>
    %convert_element_type3A_271 = arith.sitofp %get3A_270 : vector<1024x512xi32> to vector<1024x512xf32>
    %dot_general3A_272 = arith.constant dense<0.000000e+00> : vector<1024x144xf32>
    %dot_general3A_273 = tpu.matmul %convert_element_type3A_271, %concatenate3A, %dot_general3A_272 {dimension_numbers = #tpu.dot_dimension_numbers<[1], [0], [0], [1], [0, 0, 1, 1], [], []>, precision = #tpu.contract_precision<fp32>, transpose_lhs_hint = false} : vector<1024x512xf32>, vector<512x144xf32>, vector<1024x144xf32> -> vector<1024x144xf32>
    %iota3A_274 = tpu.iota {dimensions = array<i32: 1>} : vector<1024x144xi32>
    %mul3A_275 = arith.constant 64 : i32
    %mul3A_276 = vector.broadcast %mul3A_275 : i32 to vector<1024x144xi32>
    %mul3A_277 = arith.muli %iota3A_274, %mul3A_276 : vector<1024x144xi32>
    %ge3A = arith.constant 80 : i32
    %ge3A_278 = vector.broadcast %ge3A : i32 to vector<1024x144xi32>
    %ge3A_279 = arith.cmpi sge, %iota3A_274, %ge3A_278 : vector<1024x144xi32>
    %jit3A = arith.constant 76800 : i32
    %jit3A_280 = arith.constant 0 : i32
    %broadcast_in_dim3A = vector.broadcast %jit3A : i32 to vector<1024x144xi32>
    %broadcast_in_dim3A_281 = vector.broadcast %jit3A_280 : i32 to vector<1024x144xi32>
    %select_n3A = arith.select %ge3A_279, %broadcast_in_dim3A, %broadcast_in_dim3A_281 : vector<1024x144xi1>, vector<1024x144xi32>
    %add3A_282 = arith.addi %mul3A_277, %select_n3A : vector<1024x144xi32>
    %convert_element_type3A_283 = arith.fptosi %dot_general3A_273 : vector<1024x144xf32> to vector<1024x144xi32>
    %add3A_284 = arith.addi %convert_element_type3A_283, %add3A_282 : vector<1024x144xi32>
    %swap3A_285 = arith.constant 0 : index
    %swap3A_286 = arith.constant 0 : index
    %swap3A_287 = vector.load %arg3[%swap3A_285, %swap3A_286] : memref<1024x144xi32, #tpu.memory_space<vmem>>, vector<1024x144xi32>
    tpu.vector_store %arg3[%swap3A_285, %swap3A_286], %add3A_284 {strides = array<i32>} : memref<1024x144xi32, #tpu.memory_space<vmem>>, vector<1024x144xi32>,
    return
  }
}

</mosaic_0001>

<sc_bundles>
// kernel: _qgps.4.cloned.1.call-start
scs
__scs_entry_jumppad:
0x0: {  	(pc) =	sbr.rel $0x88, $3  }
0x1: {  	(tag) =	ssettag $0x0;
	lr =	simm.s32 $0x1  }
0x2: {  	[smem:$0x3F9F] =	sst lr;
	_ =	strace $0xD0000000  }
0x3: {  	_ = 	snop  }
0x4: {  	_ = 	snop  }
0x5: {  	_ = 	snop  }
0x6: {  	_ = 	snop  }
0x7: {  	_ = 	snop  }
__scs_overlays_trampoline_lowered:
0x8: {  	[smem:$0x3FAE] =	sst s0  }
0x9: {  	[smem:$0x3FAF] =	sst s1  }
0xa: {  	[smem:$0x3FB0] =	sst s2  }
0xb: {  	[smem:$0x3FB1] =	sst s3  }
0xc: {  	[smem:$0x3FB2] =	sst s4  }
0xd: {  	[smem:$0x3FB3] =	sst s5  }
0xe: {  	[smem:$0x3FB4] =	sst s6  }
0xf: {  	[smem:$0x3FB5] =	sst s7  }
0x10: {  	[smem:$0x3FB6] =	sst s8  }
0x11: {  	[smem:$0x3FB7] =	sst s9;
	s0 =	simm.s32 @!p0 $0x0  }
0x12: {  	s1 =	sld [smem:$0x3F9D];
	s0 =	simm.s32 @p0 $0x1  }
0x13: {  	[smem:$0x3FB8] =	sst s0;
	s0 =	simm.s32 @!p1 $0x0  }
0x14: {  	s2 =	sld [smem:$0x3F9C];
	s0 =	simm.s32 @p1 $0x1  }
0x15: {  	[smem:$0x3FB9] =	sst s0;
	s0 =	simm.s32 @!p2 $0x0  }
0x16: {  	s3 =	sld [smem:$0x3FDB];
	s0 =	simm.s32 @p2 $0x1  }
0x17: {  	s4 =	simm.s32 $0x1BF5;
	[smem:$0x3FBB] =	sst s0  }
0x18: {  	s0 =	sld [smem:$0x3F9E];
	_ =	swait.ge [sflag:s4], $0x0  }
0x19: {  	s7 =	sld [smem:$0x3F9F]  }
0x1a: {  	s8 =	sadd.s32 $0xFFFFE003, lr  }
0x1b: {  	s9 =	sadd.s32 $0xFFFFFEF7, lr;
	s5 =	simm.s32 $0xFFFFFFFF;
	p2 =	slt.u32 s8, $0xFFFFF086  }
0x1c: {  	p1 =	slt.u32 s9, $0xF7A;
	s5 =	simm.s32 @!p2 $0x0  }
0x1d: {  	s5 =	simm.s32 @p1 $0x1;
	p0 =	seq.s32 s7, s2  }
0x1e: {  	s7 =	smul.u32 @!p0 $0xF7A, s2;
	p2 =	seq.s32 @!p0 s5, $0x0  }
0x1f: {  	s9 =	smul.u32 $0xF7A, s1;
	s8 =	simm.s32 @!p0 $0x1BF5;
	p2 =	por !p2, p0  }
0x20: {  	[sflag:s8] =	ssyncset.s32 @!p0 $0xFFFFF086;
	s6 =	sadd.s32 @!p0 s3, s7;
	s7 =	simm.s32 @!p0 $0x108  }
0x21: {  	s3 =	sadd.s32 s3, s9;
	s6 =	sadd.s32 @!p0 $0x88, s6;
	s7 =	simm.s32 @p2 $0x1082  }
0x22: {  	[simem:s7], [sflag:s8] =	dma.local @!p0 [hbm:s6], $0xF7A  }
0x23: {  	s9 =	sor.u32 $0xD0000000, s2;
	s6 =	simm.s32 $0x108;
	_ =	swait.ge @!p0 [sflag:s8], $0x0  }
0x24: {  	s3 =	sadd.s32 $0x88, s3;
	s6 =	simm.s32 @!p1 $0x1082;
	[sflag:s4] =	ssyncset.s32 $0xFFFFF086  }
0x25: {  	[simem:s6], [sflag:s4] =	dma.local [hbm:s3], $0xF7A  }
0x26: {  	[smem:$0x3F9F] =	sst s1;
	(tag) =	ssettag s2;
	_ =	strace s9  }
0x27: {  	s1 =	sld [smem:$0x3FAF]  }
0x28: {  	s2 =	sld [smem:$0x3FB0]  }
0x29: {  	s4 =	sld [smem:$0x3FB2]  }
0x2a: {  	p0 =	seq.s32 s5, $0x0;
	s5 =	sld [smem:$0x3FB3]  }
0x2b: {  	s6 =	sld [smem:$0x3FB4]  }
0x2c: {  	s7 =	sld [smem:$0x3FB5]  }
0x2d: {  	s3 =	simm.s32 $0x108;
	s8 =	sld [smem:$0x3FB6]  }
0x2e: {  	s3 =	simm.s32 @!p0 $0x1082;
	s9 =	sld [smem:$0x3FB7]  }
0x2f: {  	lr =	sadd.s32 s0, s3;
	s0 =	sld [smem:$0x3FAE]  }
0x30: {  	s3 =	sld [smem:$0x3FB1]  }
0x31: {  	[smem:$0x3FBA] =	sst s10  }
0x32: {  	s10 =	sld [smem:$0x3FB8];
	_ =	sdelay $0x3  }
0x33: {  	p0 =	seq.s32 s10, $0x1;
	s10 =	sld [smem:$0x3FBA];
	_ =	sdelay $0x3  }
0x34: {  	[smem:$0x3FBA] =	sst s10  }
0x35: {  	s10 =	sld [smem:$0x3FB9];
	_ =	sdelay $0x3  }
0x36: {  	p1 =	seq.s32 s10, $0x1;
	s10 =	sld [smem:$0x3FBA];
	_ =	sdelay $0x3  }
0x37: {  	[smem:$0x3FBA] =	sst s10  }
0x38: {  	s10 =	sld [smem:$0x3FBB]  }
0x39: {  	_ = 	snop;
	(pc) =	sbr.ind lr, $3  }
0x3a: {  	_ = 	snop  }
0x3b: {  	_ = 	snop  }
0x3c: {  	p2 =	seq.s32 s10, $0x1;
	s10 =	sld [smem:$0x3FBA]  }
0x3d: {  	_ =	shalt  }
0x3e: {  	_ =	shalt  }
0x3f: {  	_ =	shalt  }
0x40: {  	_ =	shalt  }
0x41: {  	_ =	shalt  }
0x42: {  	_ =	shalt  }
0x43: {  	_ =	shalt  }
0x44: {  	_ =	shalt  }
0x45: {  	_ =	shalt  }
0x46: {  	_ =	shalt  }
0x47: {  	_ =	shalt  }
0x48: {  	_ =	shalt  }
0x49: {  	_ =	shalt  }
0x4a: {  	_ =	shalt  }
0x4b: {  	_ =	shalt  }
0x4c: {  	_ =	shalt  }
0x4d: {  	_ =	shalt  }
0x4e: {  	_ =	shalt  }
0x4f: {  	_ =	shalt  }
0x50: {  	_ =	shalt  }
0x51: {  	_ =	shalt  }
0x52: {  	_ =	shalt  }
0x53: {  	_ =	shalt  }
0x54: {  	_ =	shalt  }
0x55: {  	_ =	shalt  }
0x56: {  	_ =	shalt  }
0x57: {  	_ =	shalt  }
0x58: {  	_ =	shalt  }
0x59: {  	_ =	shalt  }
0x5a: {  	_ =	shalt  }
0x5b: {  	_ =	shalt  }
0x5c: {  	_ =	shalt  }
0x5d: {  	_ =	shalt  }
0x5e: {  	_ =	shalt  }
0x5f: {  	_ =	shalt  }
0x60: {  	_ =	shalt  }
0x61: {  	_ =	shalt  }
0x62: {  	_ =	shalt  }
0x63: {  	_ =	shalt  }
0x64: {  	_ =	shalt  }
0x65: {  	_ =	shalt  }
0x66: {  	_ =	shalt  }
0x67: {  	_ =	shalt  }
0x68: {  	_ =	shalt  }
0x69: {  	_ =	shalt  }
0x6a: {  	_ =	shalt  }
0x6b: {  	_ =	shalt  }
0x6c: {  	_ =	shalt  }
0x6d: {  	_ =	shalt  }
0x6e: {  	_ =	shalt  }
0x6f: {  	_ =	shalt  }
0x70: {  	_ =	shalt  }
0x71: {  	_ =	shalt  }
0x72: {  	_ =	shalt  }
0x73: {  	_ =	shalt  }
0x74: {  	_ =	shalt  }
0x75: {  	_ =	shalt  }
0x76: {  	_ =	shalt  }
0x77: {  	_ =	shalt  }
0x78: {  	_ =	shalt  }
0x79: {  	_ =	shalt  }
0x7a: {  	_ =	shalt  }
0x7b: {  	_ =	shalt  }
0x7c: {  	_ =	shalt  }
0x7d: {  	_ =	shalt  }
0x7e: {  	_ =	shalt  }
0x7f: {  	_ =	shalt  }
0x80: {  	_ =	shalt  }
0x81: {  	_ =	shalt  }
0x82: {  	_ =	shalt  }
0x83: {  	_ =	shalt  }
0x84: {  	_ =	shalt  }
0x85: {  	_ =	shalt  }
0x86: {  	_ =	shalt  }
0x87: {  	_ =	shalt  }
.Lfunc_end0:
.L_simem_size_0:
called_computation_lowered:
.L_overlay_start_0:
0x88: {  	s2 =	sld [smem:$0x3FD9]  }
0x89: {  	s3 =	sld [smem:$0x3FFE];
	_ =	sdelay $0x1  }
0x8a: {  	s1 =	srdreg.scid  }
0x8b: {  	s0 =	sand.u32 $0x1, s1  }
0x8c: {  	s17 =	sshll.u32 s0, $0xA;
	s2 =	sadd.s32 s3, s2  }
0x8d: {  	s2 =	sadd.s32 s2, s17  }
0x8e: {  	[smem:$0x3FC6] =	sst s2  }
0x8f: {  	_ = 	snop  }
0x90: {  	s2 =	sld [smem:$0x3FD0];
	(tm) =	ssettm $0x1  }
0x91: {  	s18 =	sld [smem:$0x3FFB];
	_ =	sdelay $0x3  }
0x92: {  	_ =	strace s18  }
0x93: {  	s3 =	sld [smem:$0x3FFC];
	_ =	sdelay $0x3  }
0x94: {  	_ =	strace s3  }
0x95: {  	s3 =	sld [smem:$0x3FFD];
	_ =	sdelay $0x3  }
0x96: {  	_ =	strace s3  }
0x97: {  	_ =	strace $0x8FFFFFFF  }
0x98: {  	s19 =	sld [smem:$0x3FDB];
	_ =	sdelay $0x1  }
0x99: {  	s4 =	simm.s32 $_scs_section_size  }
0x9a: {  	s5 =	simm.s32 $_size__tile_overlayer_lowered;
	s6 =	simm.s32 $_tile_overlayer_lowered  }
0x9b: {  	s22 =	simm.s32 $0x1BFF;
	s21 =	sshll.u32 s6, $0x1;
	s3 =	sadd.s32 s4, s19  }
0x9c: {  	s7 =	simm.s32 $0x0;
	s20 =	sshll.u32 s5, $0x1;
	s5 =	sadd.s32 s21, s3  }
0x9d: {  	[timem:s7], [sflag:s22] =	dma.local [hbm:s5], s20  }
0x9e: {  	_ =	swait.ge [sflag:s22], s20  }
0x9f: {  	s4 =	ssub.s32 $0x0, s20;
	[sflag:s22] =	ssyncset.done $0x0  }
0xa0: {  	[sflag:s22] =	ssyncadd.s32 s4;
	_ =	sdelay $0x1  }
0xa1: {  	s23 =	simm.s32 $0x1B8B  }
0xa2: {  	_ =	swait.ge [sflag:s23], $0x1  }
0xa3: {  	[sflag:s23] =	ssyncset.done $0x0  }
0xa4: {  	s25 =	simm.s32 $0x1B8E;
	s24 =	sld [smem:$0x3FFE];
	[sflag:s23] =	ssyncadd.s32 $0xFFFFFFFF  }
0xa5: {  	s26 =	simm.s32 $execute0_lowered;
	[smem:$0x3FD2] =	sst s25  }
0xa6: {  	s5 =	sshll.u32 s26, $0x1;
	_ =	strace $0x80000046;
	[dreg:$0x1] =	wrdreg $0xFFFFFFFF  }
0xa7: {  	s28 =	simm.s32 $_size_execute0_lowered;
	s3 =	sadd.s32 s3, s5;
	[dreg:$0x0] =	wrdreg $0x0  }
0xa8: {  	s5 =	sshll.u32 s28, $0x1;
	[dreg:$0x2] =	wrdreg s3  }
0xa9: {  	[dreg:$0x3] =	wrdreg s5  }
0xaa: {  	[dreg:$0x4] =	wrdreg $0xC0  }
0xab: {  	_ =	task [dreg:s7], $0x5FFFF  }
0xac: {  	[dreg:$0x1] =	wrdreg $0xFFFFFFFF  }
0xad: {  	[dreg:$0x0] =	wrdreg $0x60  }
0xae: {  	[dreg:$0x2] =	wrdreg s24  }
0xaf: {  	[dreg:$0x3] =	wrdreg s2  }
0xb0: {  	[dreg:$0x4] =	wrdreg $0x1D2800  }
0xb1: {  	[dreg:$0x5] =	wrdreg $0x9  }
0xb2: {  	_ =	task.clear_ibuf [dreg:s7], $0x6FFFF;
	_ =	strace $0x90000046  }
0xb3: {  	s29 =	simm.s32 $0x9;
	_ =	strace $0x80000048  }
0xb4: {  	_ =	swait.ge [sflag:s29], $0x1  }
0xb5: {  	[sflag:s29] =	ssyncadd.s32 $0xFFFFFFFF  }
0xb6: {  	_ =	strace $0x90000048  }
0xb7: {  	_ =	sfence  }
0xb8: {  	s30 =	sld [smem:$0x0];
	_ =	sdelay $0x2  }
0xb9: {  	s31 =	sshll.u32 s1, $0xD;
	s1 =	sshrl.u32 s1, $0x2  }
0xba: {  	s3 =	sand.u32 $0x4000, s31;
	s1 =	sadd.s32 s1, s30  }
0xbb: {  	s0 =	sor.u32 s3, s0;
	s1 =	sshll.u32 s1, $0x11  }
0xbc: {  	s0 =	sor.u32 s1, s0  }
0xbd: {  	s0 =	sadd.s32 $0x8F2B, s0  }
0xbe: {  	[sflag:s0] =	ssyncadd.remote.s32 $0x1  }
0xbf: {  	_ =	sfence.sel $0xFFFF  }
0xc0: {  	[dreg:$0x0] =	wrdreg $0xFFFFFFFF;
	(pc) =	sbr.abs _section_cstart, $3  }
0xc1: {  	[dreg:$0x1] =	wrdreg $0xFFFFFFFF  }
0xc2: {  	_ =	task.clear_ibuf [dreg:s7], $0x2FFFF;
	_ =	strace $0x9FFFFFFF  }
0xc3: {  	(tm) =	ssettm $0x7FFFFFFF  }
tec
execute0_lowered:
.L_overlay_start_1:
0x0: {  	(tag) =	ssettag $0x1  }
0x1: {  	s3 =	rddreg [dreg:$0x0];
	s0 =	srdreg.scid  }
0x2: {  	s6 =	stileid.u32;
	s5 =	rddreg [dreg:$0x1]  }
0x3: {  	s1 =	rddreg [dreg:$0x2];
	s2 =	simm.s32 $0x0;
	s10 =	simm.s32 $0x1D200  }
0x4: {  	s11 =	simm.s32 $0x0;
	s4 =	sand.u32 $0x1, s0;
	s0 =	rddreg [dreg:$0x3]  }
0x5: {  	s31 =	sshll.u32 s6, $0x1;
	[smem:$0x7FF] =	sst s2;
	p0 =	sne.s32 s6, $0x0  }
0x6: {  	s7 =	sor.u32 s4, s31;
	s4 =	ssub.s32 $0x2, s4;
	_ =	strace $0x80000047  }
0x7: {  	s8 =	smul.u32 $0x240, s7;
	s9 =	sshrl.u32 s4, $0x1;
	s7 =	sshll.u32 s7, $0x2  }
0x8: {  	s9 =	ssub.s32 s4, s9;
	s5 =	sadd.s32 s5, s7;
	s7 =	sshrl.u32 @!p0 s1, $0x3  }
0x9: {  	s8 =	sadd.s32 s8, s3;
	s3 =	sadd.s32 $0x5200, s3;
	s6 =	smax.u32 s9, $0x1  }
0xa: {  	v0 =	vlaneseq.u32;
	s9 =	simm.s32 $0x1200;
	s4 =	sadd.s32 $0xA00, s8;
	s8 =	simm.s32 $0x1  }
.LBB2_1:
0xb: {  	s12 =	simm.s32 @!p0 $0x1C01  }
0xc: {  	[spmem:s7], [sflag:s12] =	dma.local @!p0 [hbm:s3], $0x3800  }
0xd: {  	s12 =	simm.s32 @!p0 $0x1  }
0xe: {  	_ =	swait.ge @!p0 [sflag:s12], $0x3800  }
0xf: {  	[sflag:s12] =	ssyncset.done @!p0 $0x0  }
0x10: {  	[sflag:s12] =	ssyncadd.s32 @!p0 $0xFFFFC800  }
0x11: {  	[tilespmem:s2], [sflag:$0x1] =	stream.linear.gather [hbm4b:s4+s2], $0x1200, $0x38;
	[tilespmem:$0x1EE80] =	vst v63  }
0x12: {  	_ =	swait.ge [sflag:s8], $0x1200  }
0x13: {  	[sflag:s8] =	ssyncset.done $0x0  }
0x14: {  	[sflag:s8] =	ssyncadd.s32 $0xFFFFEE00  }
0x15: {  	[bflag:$0x0] =	sbarrier.arrive $0xFFFF  }
0x16: {  	[tilespmem:s9], [sflag:$0x1] =	stream.linear.gather [spmem:s1], $0x1C000, $0x38;
	[tilespmem:$0x1EE80] =	vst v63  }
0x17: {  	_ =	swait.ge [sflag:s8], $0x1C000  }
0x18: {  	[sflag:s8] =	ssyncset.done $0x0  }
0x19: {  	v1 =	vimm.f32 $0.0e+00;
	s13 =	simm.s32 $0x0;
	s12 =	simm.s32 $0x0;
	[sflag:s8] =	ssyncadd.s32 $0xFFFE4000  }
.LBB2_2:
0x1a: {  	v4 =	vmov s12;
	_ =	sdelay $0x3  }
0x1b: {  	s14 =	simm.s32 $0x0  }
0x1c: {  	v22 =	vld.idx.msk [tilespmem:v4+s14+$0x0 ss:$0x1], $0xffff;
	_ =	sdelay $0x4  }
0x1d: {  	(v2sf) =	vpush v22, $0xA  }
0x1e: {  	(v2sf) =	vpush v22, $0xC  }
0x1f: {  	(v2sf) =	vpush v22, $0x9;
	_ =	sdelay $0x3  }
0x20: {  	(v2sf) =	vpush v22, $0x7;
	_ =	sdelay $0x1  }
0x21: {  	(v2sf) =	vpush v22, $0x8;
	_ =	sdelay $0x2  }
0x22: {  	(v2sf) =	vpush v22, $0x6;
	_ =	sdelay $0x2  }
0x23: {  	(v2sf) =	vpush v22, $0x0  }
0x24: {  	s17 =	spop (v2sf)  }
0x25: {  	(v2sf) =	vpush v22, $0x3;
	v3 =	vld [tilespmem:s17+$0x1210];
	s14 =	spop (v2sf)  }
0x26: {  	(v2sf) =	vpush v22, $0x5;
	v2 =	vld [tilespmem:s14+$0x1210];
	s15 =	spop (v2sf)  }
0x27: {  	(v2sf) =	vpush v22, $0x4;
	v8 =	vld [tilespmem:s15+$0x1230]  }
0x28: {  	(v2sf) =	vpush v22, $0x2;
	v6 =	vld [tilespmem:s15+$0x1210]  }
0x29: {  	v5 =	vld [tilespmem:s15+$0x1220]  }
0x2a: {  	s19 =	spop (v2sf);
	v7 =	vld [tilespmem:s15+$0x1200]  }
0x2b: {  	v9 =	vld [tilespmem:s19+$0x1200]  }
0x2c: {  	s18 =	spop (v2sf);
	v13 =	vld [tilespmem:s19+$0x1220]  }
0x2d: {  	v10 =	vld [tilespmem:s18+$0x1210]  }
0x2e: {  	v11 =	vld [tilespmem:s18+$0x1220]  }
0x2f: {  	s16 =	spop (v2sf);
	v12 =	vld [tilespmem:s18+$0x1200]  }
0x30: {  	v14 =	vld [tilespmem:s16+$0x1200]  }
0x31: {  	v20 =	vld [tilespmem:s16+$0x1230]  }
0x32: {  	s20 =	spop (v2sf);
	v15 =	vld [tilespmem:s16+$0x1220]  }
0x33: {  	v16 =	vld [tilespmem:s20+$0x1230]  }
0x34: {  	s29 =	spop (v2sf);
	v29 =	vld [tilespmem:s20+$0x1220]  }
0x35: {  	(v2sf) =	vpush v22, $0xF;
	v39 =	vld [tilespmem:s20+$0x1210];
	s21 =	spop (v2sf)  }
0x36: {  	(v2sf) =	vpush v22, $0x1;
	v26 =	vld [tilespmem:s29+$0x1200];
	s22 =	spop (v2sf)  }
0x37: {  	v34 =	vld [tilespmem:s29+$0x1230];
	s30 =	spop (v2sf);
	(v2sf) =	vpush v22, $0xB  }
0x38: {  	v30 =	vld [tilespmem:s29+$0x1210]  }
0x39: {  	v32 =	vld [tilespmem:s29+$0x1220]  }
0x3a: {  	v17 =	vld [tilespmem:s21+$0x1200]  }
0x3b: {  	v24 =	vld [tilespmem:s21+$0x1230]  }
0x3c: {  	v21 =	vld [tilespmem:s21+$0x1210]  }
0x3d: {  	v19 =	vld [tilespmem:s21+$0x1220]  }
0x3e: {  	v18 =	vld [tilespmem:s22+$0x1200]  }
0x3f: {  	v28 =	vld [tilespmem:s22+$0x1230]  }
0x40: {  	v25 =	vld [tilespmem:s22+$0x1220]  }
0x41: {  	v31 =	vimm.f32 $1.000000000e+00;
	v27 =	vld [tilespmem:s22+$0x1210]  }
0x42: {  	v42 =	vmul.f32 v16, v31;
	v16 =	vld [tilespmem:s20+$0x1200]  }
0x43: {  	v44 =	vmul.f32 v29, v31;
	v29 =	vld [tilespmem:s19+$0x1210]  }
0x44: {  	v33 =	vld [tilespmem:s30+$0x1200];
	s15 =	spop (v2sf)  }
0x45: {  	v36 =	vld [tilespmem:s30+$0x1220];
	(v2sf) =	vpush v22, $0xE;
	s31 =	spop (v2sf)  }
0x46: {  	v23 =	vld [tilespmem:s31+$0x1230];
	s20 =	spop (v2sf);
	(v2sf) =	vpush v22, $0xD  }
0x47: {  	v35 =	vld [tilespmem:s30+$0x1230]  }
0x48: {  	v41 =	vld [tilespmem:s31+$0x1220]  }
0x49: {  	v40 =	vld [tilespmem:s31+$0x1210]  }
0x4a: {  	v37 =	vld [tilespmem:s30+$0x1210]  }
0x4b: {  	v38 =	vld [tilespmem:s31+$0x1200];
	v42 =	vmul.f32 v23, v42  }
0x4c: {  	v43 =	vmul.f32 v39, v31;
	v23 =	vld [tilespmem:s17+$0x1230]  }
0x4d: {  	v39 =	vmul.f32 v35, v42;
	v35 =	vld [tilespmem:s16+$0x1210]  }
0x4e: {  	v40 =	vmul.f32 v40, v43;
	v41 =	vmul.f32 v41, v44;
	s16 =	simm.s32 $0x40;
	v22 =	vld [tilespmem:s20+$0x1210]  }
.LBB2_3:
0x4f: {  	s21 =	sshra.s32 s16, $0x2;
	p1 =	sne.s32 s16, $0x200;
	s16 =	sadd.s32 $0x40, s16;
	v31 =	vmul.f32 v16, v31;
	v34 =	vmul.f32 v34, v39;
	v39 =	vld [tilespmem:s19+$0x1230]  }
0x50: {  	v16 =	vld.idx.msk [tilespmem:v4+s21+$0x0 ss:$0x1], $0xffff  }
0x51: {  	v31 =	vmul.f32 v38, v31;
	v28 =	vmul.f32 v28, v34;
	v34 =	vld [tilespmem:s17+$0x1200]  }
0x52: {  	v37 =	vmul.f32 v37, v40;
	v36 =	vmul.f32 v36, v41;
	v38 =	vld [tilespmem:s17+$0x1220]  }
0x53: {  	v31 =	vmul.f32 v33, v31;
	v24 =	vmul.f32 v24, v28;
	v28 =	vld [tilespmem:s20+$0x1200]  }
0x54: {  	v30 =	vmul.f32 v30, v37;
	v32 =	vmul.f32 v32, v36;
	v33 =	vld [tilespmem:s18+$0x1230];
	s18 =	spop (v2sf)  }
0x55: {  	v26 =	vmul.f32 v26, v31;
	v20 =	vmul.f32 v20, v24;
	v24 =	vld [tilespmem:s18+$0x1210];
	s17 =	spop (v2sf)  }
0x56: {  	v27 =	vmul.f32 v27, v30;
	v25 =	vmul.f32 v25, v32;
	(v2sf) =	vpush v16, $0xA;
	v30 =	vld [tilespmem:s17+$0x1220]  }
0x57: {  	(v2sf) =	vpush v16, $0xC;
	v18 =	vmul.f32 v18, v26;
	v26 =	vld [tilespmem:s17+$0x1210]  }
0x58: {  	v21 =	vmul.f32 v21, v27;
	v20 =	vmul.f32 v39, v20;
	(v2sf) =	vpush v16, $0x9;
	v27 =	vld [tilespmem:s20+$0x1220]  }
0x59: {  	(v2sf) =	vpush v16, $0x7;
	v17 =	vmul.f32 v17, v18;
	v18 =	vmul.f32 v19, v25;
	v19 =	vld [tilespmem:s14+$0x1220]  }
0x5a: {  	v21 =	vmul.f32 v35, v21;
	v20 =	vmul.f32 v33, v20;
	(v2sf) =	vpush v16, $0x8;
	v25 =	vld [tilespmem:s20+$0x1230]  }
0x5b: {  	(v2sf) =	vpush v16, $0x6;
	v14 =	vmul.f32 v14, v17;
	v15 =	vmul.f32 v15, v18;
	v17 =	vld [tilespmem:s14+$0x1200]  }
0x5c: {  	v18 =	vmul.f32 v29, v21;
	v8 =	vmul.f32 v8, v20;
	(v2sf) =	vpush v16, $0x0;
	v20 =	vld [tilespmem:s14+$0x1230]  }
0x5d: {  	(v2sf) =	vpush v16, $0x3;
	v9 =	vmul.f32 v9, v14;
	v13 =	vmul.f32 v13, v15;
	v14 =	vld [tilespmem:s17+$0x1200]  }
0x5e: {  	v10 =	vmul.f32 v10, v18;
	v8 =	vmul.f32 v23, v8;
	(v2sf) =	vpush v16, $0x5;
	v15 =	vld [tilespmem:s17+$0x1230]  }
0x5f: {  	(v2sf) =	vpush v16, $0x4;
	v9 =	vmul.f32 v12, v9;
	v11 =	vmul.f32 v11, v13;
	v12 =	vld [tilespmem:s15+$0x1220]  }
0x60: {  	v6 =	vmul.f32 v6, v10;
	v8 =	vmul.f32 v25, v8;
	(v2sf) =	vpush v16, $0x2;
	v10 =	vld [tilespmem:s15+$0x1210]  }
0x61: {  	(v2sf) =	vpush v16, $0xF;
	v7 =	vmul.f32 v7, v9;
	v5 =	vmul.f32 v5, v11;
	v9 =	vld [tilespmem:s18+$0x1230]  }
0x62: {  	v3 =	vmul.f32 v3, v6;
	v6 =	vmul.f32 v20, v8;
	v11 =	vld [tilespmem:s15+$0x1200]  }
0x63: {  	v7 =	vmul.f32 v34, v7;
	v5 =	vmul.f32 v38, v5;
	v13 =	vld [tilespmem:s15+$0x1230]  }
0x64: {  	v8 =	vmul.f32 v22, v3;
	v6 =	vmul.f32 v15, v6;
	v15 =	vld [tilespmem:s18+$0x1220]  }
0x65: {  	s17 =	spop (v2sf);
	v7 =	vmul.f32 v28, v7;
	v5 =	vmul.f32 v27, v5;
	v18 =	vld [tilespmem:s18+$0x1200]  }
0x66: {  	v20 =	vmul.f32 v2, v8;
	v3 =	vld [tilespmem:s17+$0x1210];
	(v2sf) =	vpush v16, $0x1;
	s14 =	spop (v2sf);
	v6 =	vmul.f32 v9, v6  }
0x67: {  	v2 =	vld [tilespmem:s14+$0x1210];
	s15 =	spop (v2sf);
	v7 =	vmul.f32 v17, v7;
	v5 =	vmul.f32 v19, v5  }
0x68: {  	v9 =	vmul.f32 v26, v20;
	v8 =	vld [tilespmem:s15+$0x1230];
	s19 =	spop (v2sf);
	v22 =	vmul.f32 v13, v6  }
0x69: {  	v6 =	vld [tilespmem:s15+$0x1210];
	s18 =	spop (v2sf);
	v7 =	vmul.f32 v14, v7;
	v13 =	vmul.f32 v30, v5  }
0x6a: {  	v14 =	vmul.f32 v24, v9;
	v5 =	vld [tilespmem:s15+$0x1220];
	s20 =	spop (v2sf)  }
0x6b: {  	v9 =	vld [tilespmem:s19+$0x1200];
	s21 =	spop (v2sf);
	v17 =	vmul.f32 v18, v7;
	v13 =	vmul.f32 v15, v13  }
0x6c: {  	v23 =	vmul.f32 v10, v14;
	v7 =	vld [tilespmem:s15+$0x1200];
	s22 =	spop (v2sf)  }
0x6d: {  	v10 =	vld [tilespmem:s18+$0x1210];
	s23 =	spop (v2sf);
	v31 =	vmul.f32 v11, v17;
	v29 =	vmul.f32 v12, v13  }
0x6e: {  	v14 =	vld [tilespmem:s20+$0x1200];
	s24 =	spop (v2sf)  }
0x6f: {  	v11 =	vld [tilespmem:s18+$0x1220];
	s25 =	spop (v2sf)  }
0x70: {  	v13 =	vld [tilespmem:s19+$0x1220];
	s15 =	spop (v2sf)  }
0x71: {  	v12 =	vld [tilespmem:s18+$0x1200]  }
0x72: {  	v18 =	vld [tilespmem:s24+$0x1200]  }
0x73: {  	v17 =	vld [tilespmem:s23+$0x1200]  }
0x74: {  	v20 =	vld [tilespmem:s20+$0x1230]  }
0x75: {  	v15 =	vld [tilespmem:s20+$0x1220];
	s26 =	spop (v2sf)  }
0x76: {  	v24 =	vld [tilespmem:s23+$0x1230]  }
0x77: {  	v21 =	vld [tilespmem:s23+$0x1210]  }
0x78: {  	v19 =	vld [tilespmem:s23+$0x1220]  }
0x79: {  	v28 =	vld [tilespmem:s24+$0x1230]  }
0x7a: {  	v26 =	vld [tilespmem:s22+$0x1200]  }
0x7b: {  	v25 =	vld [tilespmem:s24+$0x1220]  }
0x7c: {  	v34 =	vld [tilespmem:s22+$0x1230]  }
0x7d: {  	v27 =	vld [tilespmem:s24+$0x1210]  }
0x7e: {  	v30 =	vld [tilespmem:s22+$0x1210]  }
0x7f: {  	v33 =	vld [tilespmem:s25+$0x1200];
	(v2sf) =	vpush v16, $0xB  }
0x80: {  	v32 =	vld [tilespmem:s22+$0x1220]  }
0x81: {  	v36 =	vld [tilespmem:s25+$0x1220]  }
0x82: {  	v37 =	vld [tilespmem:s25+$0x1210]  }
0x83: {  	v35 =	vld [tilespmem:s25+$0x1230]  }
0x84: {  	v38 =	vld [tilespmem:s21+$0x1230]  }
0x85: {  	v39 =	vld [tilespmem:s26+$0x1230]  }
0x86: {  	v40 =	vld [tilespmem:s21+$0x1220];
	(v2sf) =	vpush v16, $0xE  }
0x87: {  	v41 =	vld [tilespmem:s21+$0x1210];
	(v2sf) =	vpush v16, $0xD  }
0x88: {  	v42 =	vld [tilespmem:s26+$0x1220]  }
0x89: {  	v22 =	vmul.f32 v38, v22;
	v43 =	vld [tilespmem:s26+$0x1210]  }
0x8a: {  	v38 =	vld [tilespmem:s26+$0x1200]  }
.Ltmp0:
0x8b: {  	v16 =	vld [tilespmem:s21+$0x1200];
	v22 =	vmul.f32 v39, v22;
	(pc) =	sbr.rel @p1 .LBB2_3-.Ltmp0, $4  }
0x8c: {  	v44 =	vmul.f32 v40, v29;
	v41 =	vmul.f32 v41, v23;
	v23 =	vld [tilespmem:s17+$0x1230]  }
0x8d: {  	v39 =	vmul.f32 v35, v22;
	v29 =	vld [tilespmem:s19+$0x1210]  }
0x8e: {  	v40 =	vmul.f32 v43, v41;
	v41 =	vmul.f32 v42, v44;
	v35 =	vld [tilespmem:s20+$0x1210];
	s20 =	spop (v2sf)  }
0x8f: {  	v22 =	vld [tilespmem:s20+$0x1210]  }
0x90: {  	v4 =	vmul.f32 v16, v31;
	_ =	sdelay $0x1  }
0x91: {  	v4 =	vmul.f32 v38, v4  }
0x92: {  	v60 =	vmul.f32 v37, v40  }
0x93: {  	v61 =	vld [tilespmem:s19+$0x1230];
	v36 =	vmul.f32 v36, v41;
	v4 =	vmul.f32 v33, v4  }
0x94: {  	v62 =	vmul.f32 v34, v39;
	v63 =	vld [tilespmem:s17+$0x1200];
	v16 =	vmul.f32 v30, v60  }
0x95: {  	v37 =	vld [tilespmem:s17+$0x1220];
	v32 =	vmul.f32 v32, v36;
	v4 =	vmul.f32 v26, v4  }
0x96: {  	v39 =	vld [tilespmem:s20+$0x1200];
	v38 =	vmul.f32 v28, v62;
	v16 =	vmul.f32 v27, v16  }
0x97: {  	v40 =	vld [tilespmem:s18+$0x1230];
	v25 =	vmul.f32 v25, v32;
	v4 =	vmul.f32 v18, v4  }
0x98: {  	v46 =	vld [tilespmem:s20+$0x1220];
	v41 =	vmul.f32 v24, v38;
	v16 =	vmul.f32 v21, v16  }
0x99: {  	v49 =	vld [tilespmem:s14+$0x1220];
	v44 =	vmul.f32 v19, v25;
	v4 =	vmul.f32 v17, v4  }
0x9a: {  	v50 =	vld [tilespmem:s20+$0x1230];
	v18 =	vmul.f32 v20, v41;
	v16 =	vmul.f32 v35, v16  }
0x9b: {  	v53 =	vld [tilespmem:s14+$0x1200];
	v47 =	vmul.f32 v15, v44;
	v4 =	vmul.f32 v14, v4  }
0x9c: {  	v54 =	vld [tilespmem:s14+$0x1230];
	v48 =	vmul.f32 v61, v18;
	v16 =	vmul.f32 v29, v16  }
0x9d: {  	v58 =	vld [tilespmem:s15+$0x1220];
	v51 =	vmul.f32 v13, v47;
	v4 =	vmul.f32 v9, v4  }
0x9e: {  	v59 =	vld [tilespmem:s15+$0x1210];
	s16 =	spop (v2sf);
	v52 =	vmul.f32 v40, v48;
	v10 =	vmul.f32 v10, v16  }
0x9f: {  	v42 =	vld [tilespmem:s16+$0x1210];
	v9 =	vmul.f32 v11, v51;
	v4 =	vmul.f32 v12, v4  }
0xa0: {  	s31 =	spop (v2sf);
	v60 =	vld [tilespmem:s16+$0x1230];
	v8 =	vmul.f32 v8, v52;
	v6 =	vmul.f32 v6, v10  }
0xa1: {  	v43 =	vld [tilespmem:s31+$0x1220];
	v5 =	vmul.f32 v5, v9;
	v4 =	vmul.f32 v7, v4  }
0xa2: {  	v45 =	vld [tilespmem:s31+$0x1210];
	v57 =	vmul.f32 v23, v8;
	v3 =	vmul.f32 v3, v6  }
0xa3: {  	v56 =	vld [tilespmem:s31+$0x1230];
	v5 =	vmul.f32 v37, v5;
	v4 =	vmul.f32 v63, v4  }
0xa4: {  	v55 =	vld [tilespmem:s31+$0x1200];
	v7 =	vmul.f32 v50, v57;
	v3 =	vmul.f32 v22, v3  }
0xa5: {  	v62 =	vld [tilespmem:s16+$0x1200];
	v5 =	vmul.f32 v46, v5;
	v4 =	vmul.f32 v39, v4  }
0xa6: {  	v61 =	vld [tilespmem:s16+$0x1220];
	v7 =	vmul.f32 v54, v7;
	v2 =	vmul.f32 v2, v3  }
0xa7: {  	v3 =	vld [tilespmem:s15+$0x1230];
	v5 =	vmul.f32 v49, v5;
	v4 =	vmul.f32 v53, v4  }
0xa8: {  	v63 =	vld [tilespmem:s15+$0x1200];
	v7 =	vmul.f32 v56, v7;
	v2 =	vmul.f32 v45, v2  }
0xa9: {  	v5 =	vmul.f32 v43, v5;
	v4 =	vmul.f32 v55, v4  }
0xaa: {  	v7 =	vmul.f32 v60, v7;
	v2 =	vmul.f32 v42, v2  }
0xab: {  	v5 =	vmul.f32 v61, v5;
	v4 =	vmul.f32 v62, v4  }
0xac: {  	v3 =	vmul.f32 v3, v7;
	v2 =	vmul.f32 v59, v2  }
0xad: {  	v5 =	vmul.f32 v58, v5;
	v4 =	vmul.f32 v63, v4;
	_ =	sdelay $0x1  }
0xae: {  	v3 =	vadd.f32 v3, v5;
	v2 =	vadd.f32 v2, v4;
	_ =	sdelay $0x1  }
0xaf: {  	v2 =	vadd.f32 v3, v2;
	_ =	sdelay $0x1  }
0xb0: {  	(xrf2) =	vadd.scan.msk.f32 $0xffff, v2;
	_ =	sdelay $0x6  }
0xb1: {  	v3 =	vmov s13;
	s13 =	sadd.s32 $0x1, s13  }
0xb2: {  	p1 =	sne.s32 s13, $0x10  }
.Ltmp1:
0xb3: {  	_ = 	snop;
	(pc) =	sbr.rel @p1 .LBB2_2-.Ltmp1, $4  }
0xb4: {  	v2, _, _ =	vpop (xrf2)  }
0xb5: {  	v2 =	vbroadcast v2, $0xF  }
0xb6: {  	vm0 =	veq.s32 v3, v0  }
0xb7: {  	s12 =	sadd.s32 $0x90, s12;
	v1 =	vsel vm0, v2, v1  }
0xb8: {  	[tilespmem:$0x1D200] =	vst v1;
	s12 =	simm.s32 $0x0;
	v1 =	vimm.f32 $0.0e+00;
	s13 =	simm.s32 $0x900  }
.LBB2_6:
0xb9: {  	v4 =	vmov s13;
	_ =	sdelay $0x3  }
0xba: {  	s14 =	simm.s32 $0x0  }
0xbb: {  	v22 =	vld.idx.msk [tilespmem:v4+s14+$0x0 ss:$0x1], $0xffff;
	_ =	sdelay $0x4  }
0xbc: {  	(v2sf) =	vpush v22, $0xA  }
0xbd: {  	(v2sf) =	vpush v22, $0xC  }
0xbe: {  	(v2sf) =	vpush v22, $0x9;
	_ =	sdelay $0x3  }
0xbf: {  	(v2sf) =	vpush v22, $0x7;
	_ =	sdelay $0x1  }
0xc0: {  	(v2sf) =	vpush v22, $0x8;
	_ =	sdelay $0x2  }
0xc1: {  	(v2sf) =	vpush v22, $0x6;
	_ =	sdelay $0x2  }
0xc2: {  	(v2sf) =	vpush v22, $0x0  }
0xc3: {  	s17 =	spop (v2sf)  }
0xc4: {  	(v2sf) =	vpush v22, $0x3;
	v3 =	vld [tilespmem:s17+$0x1210];
	s14 =	spop (v2sf)  }
0xc5: {  	(v2sf) =	vpush v22, $0x5;
	v2 =	vld [tilespmem:s14+$0x1210];
	s15 =	spop (v2sf)  }
0xc6: {  	(v2sf) =	vpush v22, $0x4;
	v8 =	vld [tilespmem:s15+$0x1230]  }
0xc7: {  	(v2sf) =	vpush v22, $0x2;
	v6 =	vld [tilespmem:s15+$0x1210]  }
0xc8: {  	v5 =	vld [tilespmem:s15+$0x1220]  }
0xc9: {  	s19 =	spop (v2sf);
	v7 =	vld [tilespmem:s15+$0x1200]  }
0xca: {  	v9 =	vld [tilespmem:s19+$0x1200]  }
0xcb: {  	s18 =	spop (v2sf);
	v13 =	vld [tilespmem:s19+$0x1220]  }
0xcc: {  	v10 =	vld [tilespmem:s18+$0x1210]  }
0xcd: {  	v11 =	vld [tilespmem:s18+$0x1220]  }
0xce: {  	s16 =	spop (v2sf);
	v12 =	vld [tilespmem:s18+$0x1200]  }
0xcf: {  	v14 =	vld [tilespmem:s16+$0x1200]  }
0xd0: {  	v20 =	vld [tilespmem:s16+$0x1230]  }
0xd1: {  	s20 =	spop (v2sf);
	v15 =	vld [tilespmem:s16+$0x1220]  }
0xd2: {  	v16 =	vld [tilespmem:s20+$0x1230]  }
0xd3: {  	s29 =	spop (v2sf);
	v29 =	vld [tilespmem:s20+$0x1220]  }
0xd4: {  	(v2sf) =	vpush v22, $0xF;
	v39 =	vld [tilespmem:s20+$0x1210];
	s21 =	spop (v2sf)  }
0xd5: {  	(v2sf) =	vpush v22, $0x1;
	v26 =	vld [tilespmem:s29+$0x1200];
	s22 =	spop (v2sf)  }
0xd6: {  	v34 =	vld [tilespmem:s29+$0x1230];
	s30 =	spop (v2sf);
	(v2sf) =	vpush v22, $0xB  }
0xd7: {  	v30 =	vld [tilespmem:s29+$0x1210]  }
0xd8: {  	v32 =	vld [tilespmem:s29+$0x1220]  }
0xd9: {  	v17 =	vld [tilespmem:s21+$0x1200]  }
0xda: {  	v24 =	vld [tilespmem:s21+$0x1230]  }
0xdb: {  	v21 =	vld [tilespmem:s21+$0x1210]  }
0xdc: {  	v19 =	vld [tilespmem:s21+$0x1220]  }
0xdd: {  	v18 =	vld [tilespmem:s22+$0x1200]  }
0xde: {  	v28 =	vld [tilespmem:s22+$0x1230]  }
0xdf: {  	v25 =	vld [tilespmem:s22+$0x1220]  }
0xe0: {  	v31 =	vimm.f32 $1.000000000e+00;
	v27 =	vld [tilespmem:s22+$0x1210]  }
0xe1: {  	v42 =	vmul.f32 v16, v31;
	v16 =	vld [tilespmem:s20+$0x1200]  }
0xe2: {  	v44 =	vmul.f32 v29, v31;
	v29 =	vld [tilespmem:s19+$0x1210]  }
0xe3: {  	v33 =	vld [tilespmem:s30+$0x1200];
	s15 =	spop (v2sf)  }
0xe4: {  	v36 =	vld [tilespmem:s30+$0x1220];
	(v2sf) =	vpush v22, $0xE;
	s31 =	spop (v2sf)  }
0xe5: {  	v23 =	vld [tilespmem:s31+$0x1230];
	s20 =	spop (v2sf);
	(v2sf) =	vpush v22, $0xD  }
0xe6: {  	v35 =	vld [tilespmem:s30+$0x1230]  }
0xe7: {  	v41 =	vld [tilespmem:s31+$0x1220]  }
0xe8: {  	v40 =	vld [tilespmem:s31+$0x1210]  }
0xe9: {  	v37 =	vld [tilespmem:s30+$0x1210]  }
0xea: {  	v38 =	vld [tilespmem:s31+$0x1200];
	v42 =	vmul.f32 v23, v42  }
0xeb: {  	v43 =	vmul.f32 v39, v31;
	v23 =	vld [tilespmem:s17+$0x1230]  }
0xec: {  	v39 =	vmul.f32 v35, v42;
	v35 =	vld [tilespmem:s16+$0x1210]  }
0xed: {  	v40 =	vmul.f32 v40, v43;
	v41 =	vmul.f32 v41, v44;
	s16 =	simm.s32 $0x40;
	v22 =	vld [tilespmem:s20+$0x1210]  }
.LBB2_7:
0xee: {  	s21 =	sshra.s32 s16, $0x2;
	p1 =	sne.s32 s16, $0x200;
	s16 =	sadd.s32 $0x40, s16;
	v31 =	vmul.f32 v16, v31;
	v34 =	vmul.f32 v34, v39;
	v39 =	vld [tilespmem:s19+$0x1230]  }
0xef: {  	v16 =	vld.idx.msk [tilespmem:v4+s21+$0x0 ss:$0x1], $0xffff  }
0xf0: {  	v31 =	vmul.f32 v38, v31;
	v28 =	vmul.f32 v28, v34;
	v34 =	vld [tilespmem:s17+$0x1200]  }
0xf1: {  	v37 =	vmul.f32 v37, v40;
	v36 =	vmul.f32 v36, v41;
	v38 =	vld [tilespmem:s17+$0x1220]  }
0xf2: {  	v31 =	vmul.f32 v33, v31;
	v24 =	vmul.f32 v24, v28;
	v28 =	vld [tilespmem:s20+$0x1200]  }
0xf3: {  	v30 =	vmul.f32 v30, v37;
	v32 =	vmul.f32 v32, v36;
	v33 =	vld [tilespmem:s18+$0x1230];
	s18 =	spop (v2sf)  }
0xf4: {  	v26 =	vmul.f32 v26, v31;
	v20 =	vmul.f32 v20, v24;
	v24 =	vld [tilespmem:s18+$0x1210];
	s17 =	spop (v2sf)  }
0xf5: {  	v27 =	vmul.f32 v27, v30;
	v25 =	vmul.f32 v25, v32;
	(v2sf) =	vpush v16, $0xA;
	v30 =	vld [tilespmem:s17+$0x1220]  }
0xf6: {  	(v2sf) =	vpush v16, $0xC;
	v18 =	vmul.f32 v18, v26;
	v26 =	vld [tilespmem:s17+$0x1210]  }
0xf7: {  	v21 =	vmul.f32 v21, v27;
	v20 =	vmul.f32 v39, v20;
	(v2sf) =	vpush v16, $0x9;
	v27 =	vld [tilespmem:s20+$0x1220]  }
0xf8: {  	(v2sf) =	vpush v16, $0x7;
	v17 =	vmul.f32 v17, v18;
	v18 =	vmul.f32 v19, v25;
	v19 =	vld [tilespmem:s14+$0x1220]  }
0xf9: {  	v21 =	vmul.f32 v35, v21;
	v20 =	vmul.f32 v33, v20;
	(v2sf) =	vpush v16, $0x8;
	v25 =	vld [tilespmem:s20+$0x1230]  }
0xfa: {  	(v2sf) =	vpush v16, $0x6;
	v14 =	vmul.f32 v14, v17;
	v15 =	vmul.f32 v15, v18;
	v17 =	vld [tilespmem:s14+$0x1200]  }
0xfb: {  	v18 =	vmul.f32 v29, v21;
	v8 =	vmul.f32 v8, v20;
	(v2sf) =	vpush v16, $0x0;
	v20 =	vld [tilespmem:s14+$0x1230]  }
0xfc: {  	(v2sf) =	vpush v16, $0x3;
	v9 =	vmul.f32 v9, v14;
	v13 =	vmul.f32 v13, v15;
	v14 =	vld [tilespmem:s17+$0x1200]  }
0xfd: {  	v10 =	vmul.f32 v10, v18;
	v8 =	vmul.f32 v23, v8;
	(v2sf) =	vpush v16, $0x5;
	v15 =	vld [tilespmem:s17+$0x1230]  }
0xfe: {  	(v2sf) =	vpush v16, $0x4;
	v9 =	vmul.f32 v12, v9;
	v11 =	vmul.f32 v11, v13;
	v12 =	vld [tilespmem:s15+$0x1220]  }
0xff: {  	v6 =	vmul.f32 v6, v10;
	v8 =	vmul.f32 v25, v8;
	(v2sf) =	vpush v16, $0x2;
	v10 =	vld [tilespmem:s15+$0x1210]  }
0x100: {  	(v2sf) =	vpush v16, $0xF;
	v7 =	vmul.f32 v7, v9;
	v5 =	vmul.f32 v5, v11;
	v9 =	vld [tilespmem:s18+$0x1230]  }
0x101: {  	v3 =	vmul.f32 v3, v6;
	v6 =	vmul.f32 v20, v8;
	v11 =	vld [tilespmem:s15+$0x1200]  }
0x102: {  	v7 =	vmul.f32 v34, v7;
	v5 =	vmul.f32 v38, v5;
	v13 =	vld [tilespmem:s15+$0x1230]  }
0x103: {  	v8 =	vmul.f32 v22, v3;
	v6 =	vmul.f32 v15, v6;
	v15 =	vld [tilespmem:s18+$0x1220]  }
0x104: {  	s17 =	spop (v2sf);
	v7 =	vmul.f32 v28, v7;
	v5 =	vmul.f32 v27, v5;
	v18 =	vld [tilespmem:s18+$0x1200]  }
0x105: {  	v20 =	vmul.f32 v2, v8;
	v3 =	vld [tilespmem:s17+$0x1210];
	(v2sf) =	vpush v16, $0x1;
	s14 =	spop (v2sf);
	v6 =	vmul.f32 v9, v6  }
0x106: {  	v2 =	vld [tilespmem:s14+$0x1210];
	s15 =	spop (v2sf);
	v7 =	vmul.f32 v17, v7;
	v5 =	vmul.f32 v19, v5  }
0x107: {  	v9 =	vmul.f32 v26, v20;
	v8 =	vld [tilespmem:s15+$0x1230];
	s19 =	spop (v2sf);
	v22 =	vmul.f32 v13, v6  }
0x108: {  	v6 =	vld [tilespmem:s15+$0x1210];
	s18 =	spop (v2sf);
	v7 =	vmul.f32 v14, v7;
	v13 =	vmul.f32 v30, v5  }
0x109: {  	v14 =	vmul.f32 v24, v9;
	v5 =	vld [tilespmem:s15+$0x1220];
	s20 =	spop (v2sf)  }
0x10a: {  	v9 =	vld [tilespmem:s19+$0x1200];
	s21 =	spop (v2sf);
	v17 =	vmul.f32 v18, v7;
	v13 =	vmul.f32 v15, v13  }
0x10b: {  	v23 =	vmul.f32 v10, v14;
	v7 =	vld [tilespmem:s15+$0x1200];
	s22 =	spop (v2sf)  }
0x10c: {  	v10 =	vld [tilespmem:s18+$0x1210];
	s23 =	spop (v2sf);
	v31 =	vmul.f32 v11, v17;
	v29 =	vmul.f32 v12, v13  }
0x10d: {  	v14 =	vld [tilespmem:s20+$0x1200];
	s24 =	spop (v2sf)  }
0x10e: {  	v11 =	vld [tilespmem:s18+$0x1220];
	s25 =	spop (v2sf)  }
0x10f: {  	v13 =	vld [tilespmem:s19+$0x1220];
	s15 =	spop (v2sf)  }
0x110: {  	v12 =	vld [tilespmem:s18+$0x1200]  }
0x111: {  	v18 =	vld [tilespmem:s24+$0x1200]  }
0x112: {  	v17 =	vld [tilespmem:s23+$0x1200]  }
0x113: {  	v20 =	vld [tilespmem:s20+$0x1230]  }
0x114: {  	v15 =	vld [tilespmem:s20+$0x1220];
	s26 =	spop (v2sf)  }
0x115: {  	v24 =	vld [tilespmem:s23+$0x1230]  }
0x116: {  	v21 =	vld [tilespmem:s23+$0x1210]  }
0x117: {  	v19 =	vld [tilespmem:s23+$0x1220]  }
0x118: {  	v28 =	vld [tilespmem:s24+$0x1230]  }
0x119: {  	v26 =	vld [tilespmem:s22+$0x1200]  }
0x11a: {  	v25 =	vld [tilespmem:s24+$0x1220]  }
0x11b: {  	v34 =	vld [tilespmem:s22+$0x1230]  }
0x11c: {  	v27 =	vld [tilespmem:s24+$0x1210]  }
0x11d: {  	v30 =	vld [tilespmem:s22+$0x1210]  }
0x11e: {  	v33 =	vld [tilespmem:s25+$0x1200];
	(v2sf) =	vpush v16, $0xB  }
0x11f: {  	v32 =	vld [tilespmem:s22+$0x1220]  }
0x120: {  	v36 =	vld [tilespmem:s25+$0x1220]  }
0x121: {  	v37 =	vld [tilespmem:s25+$0x1210]  }
0x122: {  	v35 =	vld [tilespmem:s25+$0x1230]  }
0x123: {  	v38 =	vld [tilespmem:s21+$0x1230]  }
0x124: {  	v39 =	vld [tilespmem:s26+$0x1230]  }
0x125: {  	v40 =	vld [tilespmem:s21+$0x1220];
	(v2sf) =	vpush v16, $0xE  }
0x126: {  	v41 =	vld [tilespmem:s21+$0x1210];
	(v2sf) =	vpush v16, $0xD  }
0x127: {  	v42 =	vld [tilespmem:s26+$0x1220]  }
0x128: {  	v22 =	vmul.f32 v38, v22;
	v43 =	vld [tilespmem:s26+$0x1210]  }
0x129: {  	v38 =	vld [tilespmem:s26+$0x1200]  }
.Ltmp2:
0x12a: {  	v16 =	vld [tilespmem:s21+$0x1200];
	v22 =	vmul.f32 v39, v22;
	(pc) =	sbr.rel @p1 .LBB2_7-.Ltmp2, $4  }
0x12b: {  	v44 =	vmul.f32 v40, v29;
	v41 =	vmul.f32 v41, v23;
	v23 =	vld [tilespmem:s17+$0x1230]  }
0x12c: {  	v39 =	vmul.f32 v35, v22;
	v29 =	vld [tilespmem:s19+$0x1210]  }
0x12d: {  	v40 =	vmul.f32 v43, v41;
	v41 =	vmul.f32 v42, v44;
	v35 =	vld [tilespmem:s20+$0x1210];
	s20 =	spop (v2sf)  }
0x12e: {  	v22 =	vld [tilespmem:s20+$0x1210]  }
0x12f: {  	v4 =	vmul.f32 v16, v31;
	_ =	sdelay $0x1  }
0x130: {  	v4 =	vmul.f32 v38, v4  }
0x131: {  	v60 =	vmul.f32 v37, v40  }
0x132: {  	v61 =	vld [tilespmem:s19+$0x1230];
	v36 =	vmul.f32 v36, v41;
	v4 =	vmul.f32 v33, v4  }
0x133: {  	v62 =	vmul.f32 v34, v39;
	v63 =	vld [tilespmem:s17+$0x1200];
	v16 =	vmul.f32 v30, v60  }
0x134: {  	v37 =	vld [tilespmem:s17+$0x1220];
	v32 =	vmul.f32 v32, v36;
	v4 =	vmul.f32 v26, v4  }
0x135: {  	v39 =	vld [tilespmem:s20+$0x1200];
	v38 =	vmul.f32 v28, v62;
	v16 =	vmul.f32 v27, v16  }
0x136: {  	v40 =	vld [tilespmem:s18+$0x1230];
	v25 =	vmul.f32 v25, v32;
	v4 =	vmul.f32 v18, v4  }
0x137: {  	v46 =	vld [tilespmem:s20+$0x1220];
	v41 =	vmul.f32 v24, v38;
	v16 =	vmul.f32 v21, v16  }
0x138: {  	v49 =	vld [tilespmem:s14+$0x1220];
	v44 =	vmul.f32 v19, v25;
	v4 =	vmul.f32 v17, v4  }
0x139: {  	v50 =	vld [tilespmem:s20+$0x1230];
	v18 =	vmul.f32 v20, v41;
	v16 =	vmul.f32 v35, v16  }
0x13a: {  	v53 =	vld [tilespmem:s14+$0x1200];
	v47 =	vmul.f32 v15, v44;
	v4 =	vmul.f32 v14, v4  }
0x13b: {  	v54 =	vld [tilespmem:s14+$0x1230];
	v48 =	vmul.f32 v61, v18;
	v16 =	vmul.f32 v29, v16  }
0x13c: {  	v58 =	vld [tilespmem:s15+$0x1220];
	v51 =	vmul.f32 v13, v47;
	v4 =	vmul.f32 v9, v4  }
0x13d: {  	v59 =	vld [tilespmem:s15+$0x1210];
	s16 =	spop (v2sf);
	v52 =	vmul.f32 v40, v48;
	v10 =	vmul.f32 v10, v16  }
0x13e: {  	v42 =	vld [tilespmem:s16+$0x1210];
	v9 =	vmul.f32 v11, v51;
	v4 =	vmul.f32 v12, v4  }
0x13f: {  	s31 =	spop (v2sf);
	v60 =	vld [tilespmem:s16+$0x1230];
	v8 =	vmul.f32 v8, v52;
	v6 =	vmul.f32 v6, v10  }
0x140: {  	v43 =	vld [tilespmem:s31+$0x1220];
	v5 =	vmul.f32 v5, v9;
	v4 =	vmul.f32 v7, v4  }
0x141: {  	v45 =	vld [tilespmem:s31+$0x1210];
	v57 =	vmul.f32 v23, v8;
	v3 =	vmul.f32 v3, v6  }
0x142: {  	v56 =	vld [tilespmem:s31+$0x1230];
	v5 =	vmul.f32 v37, v5;
	v4 =	vmul.f32 v63, v4  }
0x143: {  	v55 =	vld [tilespmem:s31+$0x1200];
	v7 =	vmul.f32 v50, v57;
	v3 =	vmul.f32 v22, v3  }
0x144: {  	v62 =	vld [tilespmem:s16+$0x1200];
	v5 =	vmul.f32 v46, v5;
	v4 =	vmul.f32 v39, v4  }
0x145: {  	v61 =	vld [tilespmem:s16+$0x1220];
	v7 =	vmul.f32 v54, v7;
	v2 =	vmul.f32 v2, v3  }
0x146: {  	v3 =	vld [tilespmem:s15+$0x1230];
	v5 =	vmul.f32 v49, v5;
	v4 =	vmul.f32 v53, v4  }
0x147: {  	v63 =	vld [tilespmem:s15+$0x1200];
	v7 =	vmul.f32 v56, v7;
	v2 =	vmul.f32 v45, v2  }
0x148: {  	v5 =	vmul.f32 v43, v5;
	v4 =	vmul.f32 v55, v4  }
0x149: {  	v7 =	vmul.f32 v60, v7;
	v2 =	vmul.f32 v42, v2  }
0x14a: {  	v5 =	vmul.f32 v61, v5;
	v4 =	vmul.f32 v62, v4  }
0x14b: {  	v3 =	vmul.f32 v3, v7;
	v2 =	vmul.f32 v59, v2  }
0x14c: {  	v5 =	vmul.f32 v58, v5;
	v4 =	vmul.f32 v63, v4;
	_ =	sdelay $0x1  }
0x14d: {  	v3 =	vadd.f32 v3, v5;
	v2 =	vadd.f32 v2, v4;
	_ =	sdelay $0x1  }
0x14e: {  	v2 =	vadd.f32 v3, v2;
	_ =	sdelay $0x1  }
0x14f: {  	(xrf2) =	vadd.scan.msk.f32 $0xffff, v2;
	_ =	sdelay $0x6  }
0x150: {  	v3 =	vmov s12;
	s12 =	sadd.s32 $0x1, s12  }
0x151: {  	p1 =	sne.s32 s12, $0x10  }
.Ltmp3:
0x152: {  	_ = 	snop;
	(pc) =	sbr.rel @p1 .LBB2_6-.Ltmp3, $4  }
0x153: {  	v2, _, _ =	vpop (xrf2)  }
0x154: {  	v2 =	vbroadcast v2, $0xF  }
0x155: {  	vm0 =	veq.s32 v3, v0  }
0x156: {  	s13 =	sadd.s32 $0x90, s13;
	v1 =	vsel vm0, v2, v1  }
0x157: {  	s11 =	sadd.s32 $0x1, s11  }
0x158: {  	p1 =	sne.s32 s11, s6  }
.Ltmp4:
0x159: {  	[tilespmem:$0x1D210] =	vst v1;
	(pc) =	sbr.rel @p1 .LBB2_1-.Ltmp4, $4  }
0x15a: {  	[hbm4b:s5+s2] =	stream.linear.scatter [tilespmem:s10], [sflag:$0x1], $0x20, $0x38;
	[tilespmem:$0x1EE80] =	vst v63  }
0x15b: {  	_ =	swait.ge [sflag:s8], $0x20  }
0x15c: {  	[sflag:s8] =	ssyncset.done $0x0  }
0x15d: {  	[sflag:s8] =	ssyncadd.s32 $0xFFFFFFE0  }
0x15e: {  	_ =	sfence.sel $0x180000  }
0x15f: {  	[bflag:$0x0] =	sbarrier.arrive $0xFFFF  }
0x160: {  	_ =	strace $0x90000047  }
0x161: {  	s0 =	sadd.s32 @!p0 $0x100000, s0;
	[bflag:$0x2] =	sbarrier.arrive $0xFFFF  }
0x162: {  	[sflag:s0] =	ssyncadd.tile.s32 @!p0 $0x1;
	_ =	shalt  }
.Lfunc_end2:
_tile_overlayer_lowered:
.L_overlay_start_2:
0x163: {  	(tag) =	ssettag $0x2  }
0x164: {  	s0 =	rddreg [dreg:$0x0];
	s2 =	stileid.u32  }
0x165: {  	s1 =	rddreg [dreg:$0x1];
	p0 =	sne.s32 s2, $0x0  }
0x166: {  	s3 =	rddreg [dreg:$0x2];
	[bflag:$0x3] =	sbarrier.arrive $0xFFFF;
	s2 =	simm.s32 @!p0 $0x1C01  }
0x167: {  	[timem:s3], [sflag:s2] =	dma.local @!p0 [hbm:s0], s1  }
0x168: {  	s0 =	simm.s32 @!p0 $0x1  }
0x169: {  	_ =	swait.ge @!p0 [sflag:s0], s1  }
0x16a: {  	s1 =	ssub.s32 @!p0 $0x0, s1;
	[sflag:s0] =	ssyncset.done @!p0 $0x0  }
0x16b: {  	[sflag:s0] =	ssyncadd.s32 @!p0 s1  }
0x16c: {  	[bflag:$0x3] =	sbarrier.arrive $0xFFFF  }
0x16d: {  	_ =	shalt  }

</sc_bundles>
